<compile_context>
chip_gen: v7x
topology: tpu7x:2x2x1
jax: 0.10.2.dev20260603
libtpu: 0.0.44.dev20260713+nightly
codegen_flags: <defaults>
</compile_context>

<pallas_src>
import jax
import jax.numpy as jnp
from jax import lax
from jax.experimental import pallas as pl
from jax.experimental.pallas import tpu as pltpu
from jax.experimental.pallas import tpu_sc as plsc

N_ = 10000
NP_ = 10240
R_ = 2 * NP_
E_ = 320000
SUB = 16
CH = 128
NCH = 157
NCHA = NCH + 2
EPW = NCH * CH
EPAD = SUB * EPW
RPW = NP_ // SUB
H_ = 128
G_ = 256
EPS = 1e-5
BR = 2048
GRID = R_ // BR

_mesh = plsc.VectorSubcoreMesh(core_axis_name="c", subcore_axis_name="s")



def _deg_body(sidi_hbm, ones_hbm, zeros1_hbm, deg_out, idx_buf, ones_v, deg_sh):
    c = lax.axis_index("c")
    s = lax.axis_index("s")
    pltpu.sync_copy(sidi_hbm.at[c, s], idx_buf)
    pltpu.sync_copy(ones_hbm, ones_v)

    @pl.when(s == 0)
    def _():
        pltpu.sync_copy(zeros1_hbm, deg_sh)

    plsc.subcore_barrier()

    def body(j, carry):
        pltpu.sync_copy(ones_v, deg_sh.at[idx_buf.at[j, 1]], add=True)
        return carry

    lax.fori_loop(0, NCH, body, 0)
    plsc.subcore_barrier()
    pltpu.sync_copy(deg_sh.at[pl.ds(s * RPW, RPW)],
                    deg_out.at[c, pl.ds(s * RPW, RPW)])


_deg_call = pl.kernel(
    _deg_body,
    out_type=jax.ShapeDtypeStruct((2, NP_), jnp.float32),
    mesh=_mesh,
    scratch_types=[
        pltpu.VMEM((NCHA, 2, CH), jnp.int32),
        pltpu.VMEM((CH,), jnp.float32),
        pltpu.VMEM_SHARED((NP_,), jnp.float32),
    ],
)


def _scat_body(p_hbm, sidi_hbm, zerosf_hbm, s_out,
               ib_a, ib_b, rows_a, rows_b, acc_sh, sem_a, sem_b, sem_i):
    c = lax.axis_index("c")
    s = lax.axis_index("s")
    pltpu.sync_copy(zerosf_hbm.at[pl.ds(s * RPW, RPW)],
                    acc_sh.at[pl.ds(s * RPW, RPW)])
    plsc.subcore_barrier()

    pltpu.sync_copy(sidi_hbm.at[c, s, 0], ib_a)
    pltpu.async_copy(p_hbm.at[ib_a.at[0]], rows_a, sem_a)
    pltpu.async_copy(sidi_hbm.at[c, s, 1], ib_b, sem_i)

    def body(j, carry):
        even = lax.rem(j, 2) == 0
        odd = jnp.logical_not(even)
        pltpu.make_async_copy(sidi_hbm.at[c, s, 0], ib_a, sem_i).wait()

        @pl.when(even)
        def _():
            pltpu.make_async_copy(p_hbm.at[ib_a.at[0]], rows_a, sem_a).wait()
            pltpu.async_copy(p_hbm.at[ib_b.at[0]], rows_b, sem_b)
            pltpu.sync_copy(rows_a, acc_sh.at[ib_a.at[1]], add=True)
            pltpu.async_copy(sidi_hbm.at[c, s, j + 2], ib_a, sem_i)

        @pl.when(odd)
        def _():
            pltpu.make_async_copy(p_hbm.at[ib_a.at[0]], rows_b, sem_b).wait()
            pltpu.async_copy(p_hbm.at[ib_a.at[0]], rows_a, sem_a)
            pltpu.sync_copy(rows_b, acc_sh.at[ib_b.at[1]], add=True)
            pltpu.async_copy(sidi_hbm.at[c, s, j + 2], ib_b, sem_i)

        return carry

    lax.fori_loop(0, NCH, body, 0)
    pltpu.make_async_copy(p_hbm.at[ib_a.at[0]], rows_b, sem_b).wait()
    pltpu.make_async_copy(sidi_hbm.at[c, s, 0], ib_a, sem_i).wait()
    plsc.subcore_barrier()
    pltpu.sync_copy(acc_sh.at[pl.ds(s * RPW, RPW)],
                    s_out.at[c, pl.ds(s * RPW, RPW)])


_scat_call = pl.kernel(
    _scat_body,
    out_type=jax.ShapeDtypeStruct((2, NP_, H_), jnp.float32),
    mesh=_mesh,
    scratch_types=[
        pltpu.VMEM((2, CH), jnp.int32),
        pltpu.VMEM((2, CH), jnp.int32),
        pltpu.VMEM((CH, H_), jnp.float32),
        pltpu.VMEM((CH, H_), jnp.float32),
        pltpu.VMEM_SHARED((NP_, H_), jnp.float32),
        pltpu.SemaphoreType.DMA,
        pltpu.SemaphoreType.DMA,
        pltpu.SemaphoreType.DMA,
    ],
)



def _first_body(x_ref, deg_ref, mask_ref, w_ref, p_ref):
    dis = lax.rsqrt(deg_ref[...] + 1.0)
    q = jnp.dot(x_ref[...], w_ref[...], preferred_element_type=jnp.float32)
    p_ref[...] = q * dis * mask_ref[...]


def _layer_body(s_ref, p_ref, deg_ref, mask_ref, w_ref, b_ref, g_ref, be_ref,
                out_ref):
    dis = lax.rsqrt(deg_ref[...] + 1.0)
    z = dis * (s_ref[...] + p_ref[...]) + b_ref[...]
    z = z * (g_ref[...] * lax.rsqrt(1.0 + EPS)) + be_ref[...]
    f = jnp.maximum(z, 0.0)
    q = jnp.dot(f, w_ref[...], preferred_element_type=jnp.float32)
    out_ref[...] = q * dis * mask_ref[...]


def _head_body(s_ref, p_ref, deg_ref, batch_ref,
               b3_ref, g3_ref, be3_ref,
               wc1_ref, bc1_ref, gc1_ref, bec1_ref,
               wc2_ref, bc2_ref, gc2_ref, bec2_ref,
               wc3_ref, bc3_ref,
               out_ref, pool_s, cnt_s):
    j = pl.program_id(0)

    @pl.when(j == 0)
    def _():
        pool_s[...] = jnp.zeros_like(pool_s)
        cnt_s[...] = jnp.zeros_like(cnt_s)

    dis = lax.rsqrt(deg_ref[...] + 1.0)
    z = dis * (s_ref[...] + p_ref[...]) + b3_ref[...]
    z = z * (g3_ref[...] * lax.rsqrt(1.0 + EPS)) + be3_ref[...]
    h = jnp.maximum(z, 0.0)

    gid = lax.broadcasted_iota(jnp.int32, (BR, 2 * G_), 1)
    m = (batch_ref[...] == gid).astype(jnp.float32)
    dn = (((0,), (0,)), ((), ()))
    pool_s[...] += lax.dot_general(m, h, dn, preferred_element_type=jnp.float32)
    cnt_s[...] += lax.dot_general(m, jnp.ones_like(h), dn,
                                  preferred_element_type=jnp.float32)

    @pl.when(j == GRID - 1)
    def _():
        emb = pool_s[...] / jnp.maximum(cnt_s[...], 1.0)
        comb = jnp.concatenate([emb[0:G_, :], emb[G_:2 * G_, :]], axis=1)
        z1 = jnp.dot(comb, wc1_ref[...], preferred_element_type=jnp.float32)
        z1 = z1 + bc1_ref[...]
        z1 = z1 * (gc1_ref[...] * lax.rsqrt(1.0 + EPS)) + bec1_ref[...]
        z1 = jnp.maximum(z1, 0.0)
        z2 = jnp.dot(z1, wc2_ref[...], preferred_element_type=jnp.float32)
        z2 = z2 + bc2_ref[...]
        z2 = z2 * (gc2_ref[...] * lax.rsqrt(1.0 + EPS)) + bec2_ref[...]
        z2 = jnp.maximum(z2, 0.0)
        z3 = jnp.dot(z2, wc3_ref[...], preferred_element_type=jnp.float32)
        out_ref[...] = z3 + bc3_ref[...]


def _row_spec(width):
    return pl.BlockSpec((BR, width), lambda j: (j, 0))


def _full_spec(shape):
    return pl.BlockSpec(shape, lambda j: tuple(0 for _ in shape))


def _first_call(xp, deg, mask, w1p):
    return pl.pallas_call(
        _first_body,
        grid=(GRID,),
        in_specs=[_row_spec(8), _row_spec(1), _row_spec(1), _full_spec((8, H_))],
        out_specs=_row_spec(H_),
        out_shape=jax.ShapeDtypeStruct((R_, H_), jnp.float32),
    )(xp, deg, mask, w1p)


def _layer_call(s, p, deg, mask, w, b, g, be):
    return pl.pallas_call(
        _layer_body,
        grid=(GRID,),
        in_specs=[_row_spec(H_), _row_spec(H_), _row_spec(1), _row_spec(1),
                  _full_spec((H_, H_)), _full_spec((1, H_)),
                  _full_spec((1, H_)), _full_spec((1, H_))],
        out_specs=_row_spec(H_),
        out_shape=jax.ShapeDtypeStruct((R_, H_), jnp.float32),
    )(s, p, deg, mask, w, b, g, be)


def _head_call(s, p, deg, batchp, b3, g3, be3,
               wc1, bc1, gc1, bec1, wc2, bc2, gc2, bec2, wc3p, bc3p):
    return pl.pallas_call(
        _head_body,
        grid=(GRID,),
        in_specs=[_row_spec(H_), _row_spec(H_), _row_spec(1), _row_spec(1),
                  _full_spec((1, H_)), _full_spec((1, H_)), _full_spec((1, H_)),
                  _full_spec((2 * H_, H_)), _full_spec((1, H_)),
                  _full_spec((1, H_)), _full_spec((1, H_)),
                  _full_spec((H_, H_ // 2)), _full_spec((1, H_ // 2)),
                  _full_spec((1, H_ // 2)), _full_spec((1, H_ // 2)),
                  _full_spec((H_ // 2, H_)), _full_spec((1, H_))],
        out_specs=_full_spec((G_, H_)),
        out_shape=jax.ShapeDtypeStruct((G_, H_), jnp.float32),
        scratch_shapes=[pltpu.VMEM((2 * G_, H_), jnp.float32),
                        pltpu.VMEM((2 * G_, H_), jnp.float32)],
    )(s, p, deg, batchp, b3, g3, be3,
      wc1, bc1, gc1, bec1, wc2, bc2, gc2, bec2, wc3p, bc3p)



def _pad_edges(src, dst, coff):
    npad = EPAD - E_
    si = jnp.concatenate([src + coff, jnp.full((npad,), coff + N_, jnp.int32)])
    di = jnp.concatenate([dst, jnp.full((npad,), N_, jnp.int32)])
    sic = jnp.pad(si.reshape(SUB, NCH, CH), ((0, 0), (0, 2), (0, 0)),
                  constant_values=coff + N_)
    dic = jnp.pad(di.reshape(SUB, NCH, CH), ((0, 0), (0, 2), (0, 0)),
                  constant_values=N_)
    return jnp.stack([sic, dic], axis=2)


def kernel(x1, edge_index1, edge_attr1, batch1, x2, edge_index2, edge_attr2,
           batch2, W1, b1, g1, be1, W2, b2, g2, be2, W3, b3, g3, be3,
           Wc1, bc1, gc1, bec1, Wc2, bc2, gc2, bec2, Wc3, bc3):
    f32 = jnp.float32
    xp = jnp.zeros((R_, 8), f32)
    xp = xp.at[0:N_, 0:6].set(x1).at[NP_:NP_ + N_, 0:6].set(x2)
    mask = jnp.zeros((R_, 1), f32)
    mask = mask.at[0:N_].set(1.0).at[NP_:NP_ + N_].set(1.0)
    batchp = jnp.full((R_, 1), 2 * G_, jnp.int32)
    batchp = batchp.at[0:N_, 0].set(batch1).at[NP_:NP_ + N_, 0].set(batch2 + G_)

    sidi = jnp.stack([_pad_edges(edge_index1[0], edge_index1[1], 0),
                      _pad_edges(edge_index2[0], edge_index2[1], NP_)])

    ones_h = jnp.ones((CH,), f32)
    zeros1 = jnp.zeros((NP_,), f32)
    zerosf = jnp.zeros((NP_, H_), f32)

    w1p = jnp.zeros((8, H_), f32).at[0:6].set(W1)
    wc3p = jnp.zeros((H_ // 2, H_), f32).at[:, 0:1].set(Wc3)
    bc3p = jnp.zeros((1, H_), f32).at[0, 0].set(bc3[0])
    row = lambda v: v.reshape(1, -1)

    deg = _deg_call(sidi, ones_h, zeros1).reshape(R_, 1)

    p1 = _first_call(xp, deg, mask, w1p)
    s1 = _scat_call(p1, sidi, zerosf).reshape(R_, H_)
    p2 = _layer_call(s1, p1, deg, mask, W2, row(b1), row(g1), row(be1))
    s2 = _scat_call(p2, sidi, zerosf).reshape(R_, H_)
    p3 = _layer_call(s2, p2, deg, mask, W3, row(b2), row(g2), row(be2))
    s3 = _scat_call(p3, sidi, zerosf).reshape(R_, H_)

    out = _head_call(s3, p3, deg, batchp,
                     row(b3), row(g3), row(be3),
                     Wc1, row(bc1), row(gc1), row(bec1),
                     Wc2, row(bc2), row(gc2), row(bec2),
                     wc3p, bc3p)
    return out[:, 0:1]

# --- scband reference (transcript-rebuilt; emitter-appended) ---
"""Pipeline reference for scband-interaction-predictor-81363860455755 (READ-ONLY COPY).

The authoritative reference and input builder live on the scoring server;
editing this copy changes nothing except your own understanding.
"""

import jax, jax.numpy as jnp
import numpy as np

N = 10000
E = 320000
G = 256
H = 128
EPS = 1e-5


def setup_inputs(seed: int = 0) -> dict:
    key = jax.random.key(seed)
    ks = jax.random.split(key, 40)
    inp = {}
    inp["x1"] = jax.random.normal(ks[0], (N, 6), dtype=jnp.float32)
    inp["edge_index1"] = jax.random.randint(ks[1], (2, E), 0, N, dtype=jnp.int32)
    inp["edge_attr1"] = jax.random.normal(ks[2], (E, 4), dtype=jnp.float32)
    inp["batch1"] = jnp.sort(jax.random.randint(ks[3], (N,), 0, G, dtype=jnp.int32))
    inp["x2"] = jax.random.normal(ks[4], (N, 6), dtype=jnp.float32)
    inp["edge_index2"] = jax.random.randint(ks[5], (2, E), 0, N, dtype=jnp.int32)
    inp["edge_attr2"] = jax.random.normal(ks[6], (E, 4), dtype=jnp.float32)
    inp["batch2"] = jnp.sort(jax.random.randint(ks[7], (N,), 0, G, dtype=jnp.int32))
    # shared GNNEncoder params
    inp["W1"] = jax.random.normal(ks[8], (6, H), dtype=jnp.float32) * 0.1
    inp["b1"] = jnp.zeros((H,), jnp.float32)
    inp["g1"] = jnp.ones((H,), jnp.float32)
    inp["be1"] = jnp.zeros((H,), jnp.float32)
    inp["W2"] = jax.random.normal(ks[9], (H, H), dtype=jnp.float32) * 0.1
    inp["b2"] = jnp.zeros((H,), jnp.float32)
    inp["g2"] = jnp.ones((H,), jnp.float32)
    inp["be2"] = jnp.zeros((H,), jnp.float32)
    inp["W3"] = jax.random.normal(ks[10], (H, H), dtype=jnp.float32) * 0.1
    inp["b3"] = jnp.zeros((H,), jnp.float32)
    inp["g3"] = jnp.ones((H,), jnp.float32)
    inp["be3"] = jnp.zeros((H,), jnp.float32)
    # classifier params
    inp["Wc1"] = jax.random.normal(ks[11], (2 * H, H), dtype=jnp.float32) * 0.1
    inp["bc1"] = jnp.zeros((H,), jnp.float32)
    inp["gc1"] = jnp.ones((H,), jnp.float32)
    inp["bec1"] = jnp.zeros((H,), jnp.float32)
    inp["Wc2"] = jax.random.normal(ks[12], (H, H // 2), dtype=jnp.float32) * 0.1
    inp["bc2"] = jnp.zeros((H // 2,), jnp.float32)
    inp["gc2"] = jnp.ones((H // 2,), jnp.float32)
    inp["bec2"] = jnp.zeros((H // 2,), jnp.float32)
    inp["Wc3"] = jax.random.normal(ks[13], (H // 2, 1), dtype=jnp.float32) * 0.1
    inp["bc3"] = jnp.zeros((1,), jnp.float32)
    return inp


def _gcn_conv(x, src, dst, W, b):
    # GCNConv with self-loops and symmetric normalization
    h = x @ W
    loop = jnp.arange(N, dtype=src.dtype)
    si = jnp.concatenate([src, loop])
    di = jnp.concatenate([dst, loop])
    deg = jax.ops.segment_sum(jnp.ones(si.shape[0], jnp.float32), di, num_segments=N)
    dis = jnp.where(deg > 0, 1.0 / jnp.sqrt(deg), 0.0)
    norm = dis[si] * dis[di]
    out = jax.ops.segment_sum(h[si] * norm[:, None], di, num_segments=N)
    return out + b


def _bn_eval(x, g, b):
    # BatchNorm1d in eval mode with running_mean=0, running_var=1
    return x * (g / jnp.sqrt(1.0 + EPS)) + b


def _encode(x, ei, batch, p):
    (W1, b1, g1, be1, W2, b2, g2, be2, W3, b3, g3, be3) = p
    src, dst = ei[0], ei[1]
    h = jax.nn.relu(_bn_eval(_gcn_conv(x, src, dst, W1, b1), g1, be1))
    h = jax.nn.relu(_bn_eval(_gcn_conv(h, src, dst, W2, b2), g2, be2))
    h = jax.nn.relu(_bn_eval(_gcn_conv(h, src, dst, W3, b3), g3, be3))
    s = jax.ops.segment_sum(h, batch, num_segments=G)
    c = jax.ops.segment_sum(jnp.ones(N, jnp.float32), batch, num_segments=G)
    return s / jnp.maximum(c, 1.0)[:, None]


def reference(x1, edge_index1, edge_attr1, batch1, x2, edge_index2, edge_attr2, batch2,
              W1, b1, g1, be1, W2, b2, g2, be2, W3, b3, g3, be3,
              Wc1, bc1, gc1, bec1, Wc2, bc2, gc2, bec2, Wc3, bc3):
    enc = (W1, b1, g1, be1, W2, b2, g2, be2, W3, b3, g3, be3)
    emb1 = _encode(x1, edge_index1, batch1, enc)
    emb2 = _encode(x2, edge_index2, batch2, enc)
    combined = jnp.concatenate([emb1, emb2], axis=1)
    h = jax.nn.relu(_bn_eval(combined @ Wc1 + bc1, gc1, bec1))
    h = jax.nn.relu(_bn_eval(h @ Wc2 + bc2, gc2, bec2))
    out = h @ Wc3 + bc3
    return out

if __name__ == "__main__":
    import jax
    _d = setup_inputs()
    print(jax.jit(kernel)(*tuple(_d.values())))

</pallas_src>

<mosaic_0001>
#map = affine_map<(d0, d1) -> (0, 0, 0, 0, 0)>
#map1 = affine_map<(d0, d1) -> (0)>
#map2 = affine_map<(d0, d1) -> (0, 0)>
module attributes {stable_mosaic.version = 14 : i64} {
  func.func @_deg_body(%arg0: i32, %arg1: i32, %arg2: memref<2x16x159x2x128xi32, #tpu.memory_space<hbm>>, %arg3: memref<128xf32, #tpu.memory_space<hbm>>, %arg4: memref<10240xf32, #tpu.memory_space<hbm>>, %arg5: memref<2x10240xf32, #tpu.memory_space<hbm>>, %arg6: memref<159x2x128xi32, #tpu.memory_space<vmem>>, %arg7: memref<128xf32, #tpu.memory_space<vmem>>, %arg8: memref<10240xf32, #tpu.memory_space<vmem_shared>>) attributes {dimension_semantics = [#tpu.dimension_semantics<core_parallel>, #tpu.dimension_semantics<subcore_parallel>], iteration_bounds = array<i64: 2, 16>, scalar_prefetch = 0 : i64, scratch_operands = 3 : i64, tpu.core_type = #tpu.core_type<sc_vector_subcore>, window_params = [{transform_indices = #map}, {transform_indices = #map1}, {transform_indices = #map1}, {transform_indices = #map2}]} {
    "tpu.region"() ({
      %run_scoped3A = tpu.sem_alloc : memref<!tpu.dma_semaphore, #tpu.memory_space<semaphore_mem>>
      %dma_start3A = arith.constant 0 : i32
      %dma_start3A_11 = arith.constant 0 : i32
      %dma_start3A_12 = arith.constant 0 : i32
      %dma_start3A_13 = tpu.memref_slice %arg2[%arg0, %arg1, %dma_start3A, %dma_start3A_11, %dma_start3A_12] : memref<2x16x159x2x128xi32, #tpu.memory_space<hbm>> -> memref<1x1x159x2x128xi32, #tpu.memory_space<hbm>>
      %dma_start3A_14 = tpu.memref_squeeze %dma_start3A_13 : memref<1x1x159x2x128xi32, #tpu.memory_space<hbm>> -> memref<159x2x128xi32, #tpu.memory_space<hbm>>
      %dma_start3A_15 = arith.constant 0 : i32
      %dma_start3A_16 = arith.constant 0 : i32
      %dma_start3A_17 = arith.constant 0 : i32
      %dma_start3A_18 = tpu.memref_slice %arg2[%arg0, %arg1, %dma_start3A_15, %dma_start3A_16, %dma_start3A_17] : memref<2x16x159x2x128xi32, #tpu.memory_space<hbm>> -> memref<1x1x159x2x128xi32, #tpu.memory_space<hbm>>
      %dma_start3A_19 = tpu.memref_squeeze %dma_start3A_18 : memref<1x1x159x2x128xi32, #tpu.memory_space<hbm>> -> memref<159x2x128xi32, #tpu.memory_space<hbm>>
      tpu.enqueue_dma source(%dma_start3A_19 : memref<159x2x128xi32, #tpu.memory_space<hbm>>) target(%arg6 : memref<159x2x128xi32, #tpu.memory_space<vmem>>) target_semaphore(%run_scoped3A : memref<!tpu.dma_semaphore, #tpu.memory_space<semaphore_mem>>)
      %dma_wait3A = arith.constant 0 : i32
      %dma_wait3A_20 = arith.constant 0 : i32
      %dma_wait3A_21 = arith.constant 0 : i32
      %dma_wait3A_22 = tpu.memref_slice %arg2[%arg0, %arg1, %dma_wait3A, %dma_wait3A_20, %dma_wait3A_21] : memref<2x16x159x2x128xi32, #tpu.memory_space<hbm>> -> memref<1x1x159x2x128xi32, #tpu.memory_space<hbm>>
      %dma_wait3A_23 = tpu.memref_squeeze %dma_wait3A_22 : memref<1x1x159x2x128xi32, #tpu.memory_space<hbm>> -> memref<159x2x128xi32, #tpu.memory_space<hbm>>
      %dma_wait3A_24 = arith.constant 0 : i32
      %dma_wait3A_25 = arith.constant 0 : i32
      %dma_wait3A_26 = arith.constant 0 : i32
      %dma_wait3A_27 = tpu.memref_slice %arg2[%arg0, %arg1, %dma_wait3A_24, %dma_wait3A_25, %dma_wait3A_26] : memref<2x16x159x2x128xi32, #tpu.memory_space<hbm>> -> memref<1x1x159x2x128xi32, #tpu.memory_space<hbm>>
      %dma_wait3A_28 = tpu.memref_squeeze %dma_wait3A_27 : memref<1x1x159x2x128xi32, #tpu.memory_space<hbm>> -> memref<159x2x128xi32, #tpu.memory_space<hbm>>
      tpu.wait_dma2 semaphore(%run_scoped3A : memref<!tpu.dma_semaphore, #tpu.memory_space<semaphore_mem>>) src(%dma_wait3A_28 : memref<159x2x128xi32, #tpu.memory_space<hbm>>) dst(%arg6 : memref<159x2x128xi32, #tpu.memory_space<vmem>>)
      tpu.yield
    }) : () -> ()
    "tpu.region"() ({
      %run_scoped3A = tpu.sem_alloc : memref<!tpu.dma_semaphore, #tpu.memory_space<semaphore_mem>>
      tpu.enqueue_dma source(%arg3 : memref<128xf32, #tpu.memory_space<hbm>>) target(%arg7 : memref<128xf32, #tpu.memory_space<vmem>>) target_semaphore(%run_scoped3A : memref<!tpu.dma_semaphore, #tpu.memory_space<semaphore_mem>>)
      tpu.wait_dma2 semaphore(%run_scoped3A : memref<!tpu.dma_semaphore, #tpu.memory_space<semaphore_mem>>) src(%arg3 : memref<128xf32, #tpu.memory_space<hbm>>) dst(%arg7 : memref<128xf32, #tpu.memory_space<vmem>>)
      tpu.yield
    }) : () -> ()
    %eq3A = arith.constant 0 : i32
    %eq3A_0 = arith.cmpi eq, %arg1, %eq3A : i32
    %convert_element_type3A = arith.extui %eq3A_0 : i1 to i32
    %cond3A = arith.constant 0 : i32
    %cond3A_1 = arith.cmpi ne, %convert_element_type3A, %cond3A : i32
    scf.if %cond3A_1 {
      "tpu.region"() ({
        %run_scoped3A = tpu.sem_alloc : memref<!tpu.dma_semaphore, #tpu.memory_space<semaphore_mem>>
        tpu.enqueue_dma source(%arg4 : memref<10240xf32, #tpu.memory_space<hbm>>) target(%arg8 : memref<10240xf32, #tpu.memory_space<vmem_shared>>) target_semaphore(%run_scoped3A : memref<!tpu.dma_semaphore, #tpu.memory_space<semaphore_mem>>)
        tpu.wait_dma2 semaphore(%run_scoped3A : memref<!tpu.dma_semaphore, #tpu.memory_space<semaphore_mem>>) src(%arg4 : memref<10240xf32, #tpu.memory_space<hbm>>) dst(%arg8 : memref<10240xf32, #tpu.memory_space<vmem_shared>>)
        tpu.yield
      }) : () -> ()
    } else {
    }
    %barrier3A = arith.constant 0 : index
    tpu.barrier barrier_id(%barrier3A)
    %scan3A = arith.constant 0 : i32
    %scan3A_2 = arith.constant 0 : i32
    %scan3A_3 = arith.constant 157 : i32
    %scan3A_4 = arith.addi %scan3A_2, %scan3A_3 : i32
    %scan3A_5 = arith.constant 1 : i32
    scf.for %scan3A_11 = %scan3A_2 to %scan3A_4 step %scan3A_5  : i32 {
      %run_scoped3A = arith.constant 1 : i32
      "tpu.region"() ({
        %run_scoped3A_12 = tpu.sem_alloc : memref<!tpu.dma_semaphore, #tpu.memory_space<semaphore_mem>>
        %dma_start3A = arith.constant 0 : i32
        %dma_start3A_13 = tpu.memref_slice %arg6[%scan3A_11, %run_scoped3A, %dma_start3A] : memref<159x2x128xi32, #tpu.memory_space<vmem>> -> memref<1x1x128xi32, #tpu.memory_space<vmem>>
        %dma_start3A_14 = tpu.memref_squeeze %dma_start3A_13 : memref<1x1x128xi32, #tpu.memory_space<vmem>> -> memref<128xi32, #tpu.memory_space<vmem>>
        %dma_start3A_15 = arith.constant 0 : i32
        %dma_start3A_16 = tpu.memref_slice %arg8[%dma_start3A_15] : memref<10240xf32, #tpu.memory_space<vmem_shared>> -> memref<10240xf32, #tpu.memory_space<vmem_shared>>
        tpu.enqueue_indirect_dma source(%arg7 : memref<128xf32, #tpu.memory_space<vmem>>) target(%dma_start3A_16 : memref<10240xf32, #tpu.memory_space<vmem_shared>>) offsets(%dma_start3A_14 : memref<128xi32, #tpu.memory_space<vmem>>) semaphore(%run_scoped3A_12 : memref<!tpu.dma_semaphore, #tpu.memory_space<semaphore_mem>>) {add = true}
        %dma_wait3A = arith.constant 0 : i32
        %dma_wait3A_17 = tpu.memref_slice %arg6[%scan3A_11, %run_scoped3A, %dma_wait3A] : memref<159x2x128xi32, #tpu.memory_space<vmem>> -> memref<1x1x128xi32, #tpu.memory_space<vmem>>
        %dma_wait3A_18 = tpu.memref_squeeze %dma_wait3A_17 : memref<1x1x128xi32, #tpu.memory_space<vmem>> -> memref<128xi32, #tpu.memory_space<vmem>>
        %dma_wait3A_19 = arith.constant 0 : i32
        %dma_wait3A_20 = tpu.memref_slice %arg8[%dma_wait3A_19] : memref<10240xf32, #tpu.memory_space<vmem_shared>> -> memref<10240xf32, #tpu.memory_space<vmem_shared>>
        tpu.wait_indirect_dma semaphore(%run_scoped3A_12 : memref<!tpu.dma_semaphore, #tpu.memory_space<semaphore_mem>>) src(%arg7 : memref<128xf32, #tpu.memory_space<vmem>>) dst(%dma_wait3A_20 : memref<10240xf32, #tpu.memory_space<vmem_shared>>)
        tpu.yield
      }) : () -> ()
    }
    %scan3A_6 = arith.constant 157 : i32
    %barrier3A_7 = arith.constant 0 : index
    tpu.barrier barrier_id(%barrier3A_7)
    %mul3A = arith.constant 640 : i32
    %mul3A_8 = arith.muli %arg1, %mul3A : i32
    %mul3A_9 = arith.constant 640 : i32
    %mul3A_10 = arith.muli %arg1, %mul3A_9 : i32
    "tpu.region"() ({
      %run_scoped3A = tpu.sem_alloc : memref<!tpu.dma_semaphore, #tpu.memory_space<semaphore_mem>>
      %dma_start3A = tpu.memref_slice %arg5[%arg0, %mul3A_10] : memref<2x10240xf32, #tpu.memory_space<hbm>> -> memref<1x640xf32, #tpu.memory_space<hbm>>
      %dma_start3A_11 = tpu.memref_squeeze %dma_start3A : memref<1x640xf32, #tpu.memory_space<hbm>> -> memref<640xf32, #tpu.memory_space<hbm>>
      %dma_start3A_12 = tpu.memref_slice %arg8[%mul3A_8] : memref<10240xf32, #tpu.memory_space<vmem_shared>> -> memref<640xf32, #tpu.memory_space<vmem_shared>>
      tpu.enqueue_dma source(%dma_start3A_12 : memref<640xf32, #tpu.memory_space<vmem_shared>>) target(%dma_start3A_11 : memref<640xf32, #tpu.memory_space<hbm>>) target_semaphore(%run_scoped3A : memref<!tpu.dma_semaphore, #tpu.memory_space<semaphore_mem>>)
      %dma_wait3A = tpu.memref_slice %arg5[%arg0, %mul3A_10] : memref<2x10240xf32, #tpu.memory_space<hbm>> -> memref<1x640xf32, #tpu.memory_space<hbm>>
      %dma_wait3A_13 = tpu.memref_squeeze %dma_wait3A : memref<1x640xf32, #tpu.memory_space<hbm>> -> memref<640xf32, #tpu.memory_space<hbm>>
      %dma_wait3A_14 = tpu.memref_slice %arg8[%mul3A_8] : memref<10240xf32, #tpu.memory_space<vmem_shared>> -> memref<640xf32, #tpu.memory_space<vmem_shared>>
      tpu.wait_dma2 semaphore(%run_scoped3A : memref<!tpu.dma_semaphore, #tpu.memory_space<semaphore_mem>>) src(%dma_wait3A_14 : memref<640xf32, #tpu.memory_space<vmem_shared>>) dst(%dma_wait3A_13 : memref<640xf32, #tpu.memory_space<hbm>>)
      tpu.yield
    }) : () -> ()
    return
  }
}

#map = affine_map<(d0, d1) -> (0, 0)>
#map1 = affine_map<(d0, d1) -> (0, 0, 0, 0, 0)>
#map2 = affine_map<(d0, d1) -> (0, 0, 0)>
module attributes {stable_mosaic.version = 14 : i64} {
  func.func @_scat_body(%arg0: i32, %arg1: i32, %arg2: memref<20480x128xf32, #tpu.memory_space<hbm>>, %arg3: memref<2x16x159x2x128xi32, #tpu.memory_space<hbm>>, %arg4: memref<10240x128xf32, #tpu.memory_space<hbm>>, %arg5: memref<2x10240x128xf32, #tpu.memory_space<hbm>>, %arg6: memref<2x128xi32, #tpu.memory_space<vmem>>, %arg7: memref<2x128xi32, #tpu.memory_space<vmem>>, %arg8: memref<128x128xf32, #tpu.memory_space<vmem>>, %arg9: memref<128x128xf32, #tpu.memory_space<vmem>>, %arg10: memref<10240x128xf32, #tpu.memory_space<vmem_shared>>, %arg11: memref<!tpu.dma_semaphore, #tpu.memory_space<semaphore_mem>>, %arg12: memref<!tpu.dma_semaphore, #tpu.memory_space<semaphore_mem>>, %arg13: memref<!tpu.dma_semaphore, #tpu.memory_space<semaphore_mem>>) attributes {dimension_semantics = [#tpu.dimension_semantics<core_parallel>, #tpu.dimension_semantics<subcore_parallel>], iteration_bounds = array<i64: 2, 16>, scalar_prefetch = 0 : i64, scratch_operands = 8 : i64, tpu.core_type = #tpu.core_type<sc_vector_subcore>, window_params = [{transform_indices = #map}, {transform_indices = #map1}, {transform_indices = #map}, {transform_indices = #map2}]} {
    %mul3A = arith.constant 640 : i32
    %mul3A_0 = arith.muli %arg1, %mul3A : i32
    %mul3A_1 = arith.constant 640 : i32
    %mul3A_2 = arith.muli %arg1, %mul3A_1 : i32
    "tpu.region"() ({
      %run_scoped3A_43 = tpu.sem_alloc : memref<!tpu.dma_semaphore, #tpu.memory_space<semaphore_mem>>
      %dma_start3A_44 = arith.constant 0 : i32
      %dma_start3A_45 = tpu.memref_slice %arg10[%mul3A_2, %dma_start3A_44] : memref<10240x128xf32, #tpu.memory_space<vmem_shared>> -> memref<640x128xf32, #tpu.memory_space<vmem_shared>>
      %dma_start3A_46 = arith.constant 0 : i32
      %dma_start3A_47 = tpu.memref_slice %arg4[%mul3A_0, %dma_start3A_46] : memref<10240x128xf32, #tpu.memory_space<hbm>> -> memref<640x128xf32, #tpu.memory_space<hbm>>
      tpu.enqueue_dma source(%dma_start3A_47 : memref<640x128xf32, #tpu.memory_space<hbm>>) target(%dma_start3A_45 : memref<640x128xf32, #tpu.memory_space<vmem_shared>>) target_semaphore(%run_scoped3A_43 : memref<!tpu.dma_semaphore, #tpu.memory_space<semaphore_mem>>)
      %dma_wait3A_48 = arith.constant 0 : i32
      %dma_wait3A_49 = tpu.memref_slice %arg10[%mul3A_2, %dma_wait3A_48] : memref<10240x128xf32, #tpu.memory_space<vmem_shared>> -> memref<640x128xf32, #tpu.memory_space<vmem_shared>>
      %dma_wait3A_50 = arith.constant 0 : i32
      %dma_wait3A_51 = tpu.memref_slice %arg4[%mul3A_0, %dma_wait3A_50] : memref<10240x128xf32, #tpu.memory_space<hbm>> -> memref<640x128xf32, #tpu.memory_space<hbm>>
      tpu.wait_dma2 semaphore(%run_scoped3A_43 : memref<!tpu.dma_semaphore, #tpu.memory_space<semaphore_mem>>) src(%dma_wait3A_51 : memref<640x128xf32, #tpu.memory_space<hbm>>) dst(%dma_wait3A_49 : memref<640x128xf32, #tpu.memory_space<vmem_shared>>)
      tpu.yield
    }) : () -> ()
    %barrier3A = arith.constant 0 : index
    tpu.barrier barrier_id(%barrier3A)
    %run_scoped3A = arith.constant 0 : i32
    "tpu.region"() ({
      %run_scoped3A_43 = tpu.sem_alloc : memref<!tpu.dma_semaphore, #tpu.memory_space<semaphore_mem>>
      %dma_start3A_44 = arith.constant 0 : i32
      %dma_start3A_45 = arith.constant 0 : i32
      %dma_start3A_46 = tpu.memref_slice %arg3[%arg0, %arg1, %run_scoped3A, %dma_start3A_44, %dma_start3A_45] : memref<2x16x159x2x128xi32, #tpu.memory_space<hbm>> -> memref<1x1x1x2x128xi32, #tpu.memory_space<hbm>>
      %dma_start3A_47 = tpu.memref_squeeze %dma_start3A_46 : memref<1x1x1x2x128xi32, #tpu.memory_space<hbm>> -> memref<2x128xi32, #tpu.memory_space<hbm>>
      %dma_start3A_48 = arith.constant 0 : i32
      %dma_start3A_49 = arith.constant 0 : i32
      %dma_start3A_50 = tpu.memref_slice %arg3[%arg0, %arg1, %run_scoped3A, %dma_start3A_48, %dma_start3A_49] : memref<2x16x159x2x128xi32, #tpu.memory_space<hbm>> -> memref<1x1x1x2x128xi32, #tpu.memory_space<hbm>>
      %dma_start3A_51 = tpu.memref_squeeze %dma_start3A_50 : memref<1x1x1x2x128xi32, #tpu.memory_space<hbm>> -> memref<2x128xi32, #tpu.memory_space<hbm>>
      tpu.enqueue_dma source(%dma_start3A_51 : memref<2x128xi32, #tpu.memory_space<hbm>>) target(%arg6 : memref<2x128xi32, #tpu.memory_space<vmem>>) target_semaphore(%run_scoped3A_43 : memref<!tpu.dma_semaphore, #tpu.memory_space<semaphore_mem>>)
      %dma_wait3A_52 = arith.constant 0 : i32
      %dma_wait3A_53 = arith.constant 0 : i32
      %dma_wait3A_54 = tpu.memref_slice %arg3[%arg0, %arg1, %run_scoped3A, %dma_wait3A_52, %dma_wait3A_53] : memref<2x16x159x2x128xi32, #tpu.memory_space<hbm>> -> memref<1x1x1x2x128xi32, #tpu.memory_space<hbm>>
      %dma_wait3A_55 = tpu.memref_squeeze %dma_wait3A_54 : memref<1x1x1x2x128xi32, #tpu.memory_space<hbm>> -> memref<2x128xi32, #tpu.memory_space<hbm>>
      %dma_wait3A_56 = arith.constant 0 : i32
      %dma_wait3A_57 = arith.constant 0 : i32
      %dma_wait3A_58 = tpu.memref_slice %arg3[%arg0, %arg1, %run_scoped3A, %dma_wait3A_56, %dma_wait3A_57] : memref<2x16x159x2x128xi32, #tpu.memory_space<hbm>> -> memref<1x1x1x2x128xi32, #tpu.memory_space<hbm>>
      %dma_wait3A_59 = tpu.memref_squeeze %dma_wait3A_58 : memref<1x1x1x2x128xi32, #tpu.memory_space<hbm>> -> memref<2x128xi32, #tpu.memory_space<hbm>>
      tpu.wait_dma2 semaphore(%run_scoped3A_43 : memref<!tpu.dma_semaphore, #tpu.memory_space<semaphore_mem>>) src(%dma_wait3A_59 : memref<2x128xi32, #tpu.memory_space<hbm>>) dst(%arg6 : memref<2x128xi32, #tpu.memory_space<vmem>>)
      tpu.yield
    }) : () -> ()
    %dma_start3A = arith.constant 0 : i32
    %dma_start3A_3 = arith.constant 0 : i32
    %dma_start3A_4 = tpu.memref_slice %arg6[%dma_start3A, %dma_start3A_3] : memref<2x128xi32, #tpu.memory_space<vmem>> -> memref<1x128xi32, #tpu.memory_space<vmem>>
    %dma_start3A_5 = tpu.memref_squeeze %dma_start3A_4 : memref<1x128xi32, #tpu.memory_space<vmem>> -> memref<128xi32, #tpu.memory_space<vmem>>
    %dma_start3A_6 = arith.constant 0 : i32
    %dma_start3A_7 = arith.constant 0 : i32
    %dma_start3A_8 = tpu.memref_slice %arg2[%dma_start3A_6, %dma_start3A_7] : memref<20480x128xf32, #tpu.memory_space<hbm>> -> memref<20480x128xf32, #tpu.memory_space<hbm>>
    tpu.enqueue_indirect_dma source(%dma_start3A_8 : memref<20480x128xf32, #tpu.memory_space<hbm>>) target(%arg8 : memref<128x128xf32, #tpu.memory_space<vmem>>) offsets(%dma_start3A_5 : memref<128xi32, #tpu.memory_space<vmem>>) semaphore(%arg11 : memref<!tpu.dma_semaphore, #tpu.memory_space<semaphore_mem>>)
    %dma_start3A_9 = arith.constant 1 : i32
    %dma_start3A_10 = arith.constant 0 : i32
    %dma_start3A_11 = arith.constant 0 : i32
    %dma_start3A_12 = tpu.memref_slice %arg3[%arg0, %arg1, %dma_start3A_9, %dma_start3A_10, %dma_start3A_11] : memref<2x16x159x2x128xi32, #tpu.memory_space<hbm>> -> memref<1x1x1x2x128xi32, #tpu.memory_space<hbm>>
    %dma_start3A_13 = tpu.memref_squeeze %dma_start3A_12 : memref<1x1x1x2x128xi32, #tpu.memory_space<hbm>> -> memref<2x128xi32, #tpu.memory_space<hbm>>
    %dma_start3A_14 = arith.constant 0 : i32
    %dma_start3A_15 = arith.constant 0 : i32
    %dma_start3A_16 = tpu.memref_slice %arg3[%arg0, %arg1, %dma_start3A_9, %dma_start3A_14, %dma_start3A_15] : memref<2x16x159x2x128xi32, #tpu.memory_space<hbm>> -> memref<1x1x1x2x128xi32, #tpu.memory_space<hbm>>
    %dma_start3A_17 = tpu.memref_squeeze %dma_start3A_16 : memref<1x1x1x2x128xi32, #tpu.memory_space<hbm>> -> memref<2x128xi32, #tpu.memory_space<hbm>>
    tpu.enqueue_dma source(%dma_start3A_17 : memref<2x128xi32, #tpu.memory_space<hbm>>) target(%arg7 : memref<2x128xi32, #tpu.memory_space<vmem>>) target_semaphore(%arg13 : memref<!tpu.dma_semaphore, #tpu.memory_space<semaphore_mem>>)
    %scan3A = arith.constant 0 : i32
    %scan3A_18 = arith.constant 0 : i32
    %scan3A_19 = arith.constant 157 : i32
    %scan3A_20 = arith.addi %scan3A_18, %scan3A_19 : i32
    %scan3A_21 = arith.constant 1 : i32
    scf.for %scan3A_43 = %scan3A_18 to %scan3A_20 step %scan3A_21  : i32 {
      %rem3A = arith.constant 2 : i32
      %rem3A_44 = arith.remsi %scan3A_43, %rem3A : i32
      %eq3A = arith.constant 0 : i32
      %eq3A_45 = arith.cmpi eq, %rem3A_44, %eq3A : i32
      %not3A = arith.constant true
      %not3A_46 = arith.xori %eq3A_45, %not3A : i1
      %dma_wait3A_47 = arith.constant 0 : i32
      %dma_wait3A_48 = arith.constant 0 : i32
      %dma_wait3A_49 = arith.constant 0 : i32
      %dma_wait3A_50 = tpu.memref_slice %arg3[%arg0, %arg1, %dma_wait3A_47, %dma_wait3A_48, %dma_wait3A_49] : memref<2x16x159x2x128xi32, #tpu.memory_space<hbm>> -> memref<1x1x1x2x128xi32, #tpu.memory_space<hbm>>
      %dma_wait3A_51 = tpu.memref_squeeze %dma_wait3A_50 : memref<1x1x1x2x128xi32, #tpu.memory_space<hbm>> -> memref<2x128xi32, #tpu.memory_space<hbm>>
      %dma_wait3A_52 = arith.constant 0 : i32
      %dma_wait3A_53 = arith.constant 0 : i32
      %dma_wait3A_54 = tpu.memref_slice %arg3[%arg0, %arg1, %dma_wait3A_47, %dma_wait3A_52, %dma_wait3A_53] : memref<2x16x159x2x128xi32, #tpu.memory_space<hbm>> -> memref<1x1x1x2x128xi32, #tpu.memory_space<hbm>>
      %dma_wait3A_55 = tpu.memref_squeeze %dma_wait3A_54 : memref<1x1x1x2x128xi32, #tpu.memory_space<hbm>> -> memref<2x128xi32, #tpu.memory_space<hbm>>
      tpu.wait_dma2 semaphore(%arg13 : memref<!tpu.dma_semaphore, #tpu.memory_space<semaphore_mem>>) src(%dma_wait3A_55 : memref<2x128xi32, #tpu.memory_space<hbm>>) dst(%arg6 : memref<2x128xi32, #tpu.memory_space<vmem>>)
      %convert_element_type3A = arith.extui %eq3A_45 : i1 to i32
      %cond3A = arith.constant 0 : i32
      %cond3A_56 = arith.cmpi ne, %convert_element_type3A, %cond3A : i32
      scf.if %cond3A_56 {
        %dma_wait3A_60 = arith.constant 0 : i32
        %dma_wait3A_61 = arith.constant 0 : i32
        %dma_wait3A_62 = tpu.memref_slice %arg6[%dma_wait3A_60, %dma_wait3A_61] : memref<2x128xi32, #tpu.memory_space<vmem>> -> memref<1x128xi32, #tpu.memory_space<vmem>>
        %dma_wait3A_63 = tpu.memref_squeeze %dma_wait3A_62 : memref<1x128xi32, #tpu.memory_space<vmem>> -> memref<128xi32, #tpu.memory_space<vmem>>
        %dma_wait3A_64 = arith.constant 0 : i32
        %dma_wait3A_65 = arith.constant 0 : i32
        %dma_wait3A_66 = tpu.memref_slice %arg2[%dma_wait3A_64, %dma_wait3A_65] : memref<20480x128xf32, #tpu.memory_space<hbm>> -> memref<20480x128xf32, #tpu.memory_space<hbm>>
        tpu.wait_indirect_dma semaphore(%arg11 : memref<!tpu.dma_semaphore, #tpu.memory_space<semaphore_mem>>) src(%dma_wait3A_66 : memref<20480x128xf32, #tpu.memory_space<hbm>>) dst(%arg8 : memref<128x128xf32, #tpu.memory_space<vmem>>)
        %dma_start3A_67 = arith.constant 0 : i32
        %dma_start3A_68 = arith.constant 0 : i32
        %dma_start3A_69 = tpu.memref_slice %arg7[%dma_start3A_67, %dma_start3A_68] : memref<2x128xi32, #tpu.memory_space<vmem>> -> memref<1x128xi32, #tpu.memory_space<vmem>>
        %dma_start3A_70 = tpu.memref_squeeze %dma_start3A_69 : memref<1x128xi32, #tpu.memory_space<vmem>> -> memref<128xi32, #tpu.memory_space<vmem>>
        %dma_start3A_71 = arith.constant 0 : i32
        %dma_start3A_72 = arith.constant 0 : i32
        %dma_start3A_73 = tpu.memref_slice %arg2[%dma_start3A_71, %dma_start3A_72] : memref<20480x128xf32, #tpu.memory_space<hbm>> -> memref<20480x128xf32, #tpu.memory_space<hbm>>
        tpu.enqueue_indirect_dma source(%dma_start3A_73 : memref<20480x128xf32, #tpu.memory_space<hbm>>) target(%arg9 : memref<128x128xf32, #tpu.memory_space<vmem>>) offsets(%dma_start3A_70 : memref<128xi32, #tpu.memory_space<vmem>>) semaphore(%arg12 : memref<!tpu.dma_semaphore, #tpu.memory_space<semaphore_mem>>)
        %run_scoped3A_74 = arith.constant 1 : i32
        "tpu.region"() ({
          %run_scoped3A_84 = tpu.sem_alloc : memref<!tpu.dma_semaphore, #tpu.memory_space<semaphore_mem>>
          %dma_start3A_85 = arith.constant 0 : i32
          %dma_start3A_86 = tpu.memref_slice %arg6[%run_scoped3A_74, %dma_start3A_85] : memref<2x128xi32, #tpu.memory_space<vmem>> -> memref<1x128xi32, #tpu.memory_space<vmem>>
          %dma_start3A_87 = tpu.memref_squeeze %dma_start3A_86 : memref<1x128xi32, #tpu.memory_space<vmem>> -> memref<128xi32, #tpu.memory_space<vmem>>
          %dma_start3A_88 = arith.constant 0 : i32
          %dma_start3A_89 = arith.constant 0 : i32
          %dma_start3A_90 = tpu.memref_slice %arg10[%dma_start3A_88, %dma_start3A_89] : memref<10240x128xf32, #tpu.memory_space<vmem_shared>> -> memref<10240x128xf32, #tpu.memory_space<vmem_shared>>
          tpu.enqueue_indirect_dma source(%arg8 : memref<128x128xf32, #tpu.memory_space<vmem>>) target(%dma_start3A_90 : memref<10240x128xf32, #tpu.memory_space<vmem_shared>>) offsets(%dma_start3A_87 : memref<128xi32, #tpu.memory_space<vmem>>) semaphore(%run_scoped3A_84 : memref<!tpu.dma_semaphore, #tpu.memory_space<semaphore_mem>>) {add = true}
          %dma_wait3A_91 = arith.constant 0 : i32
          %dma_wait3A_92 = tpu.memref_slice %arg6[%run_scoped3A_74, %dma_wait3A_91] : memref<2x128xi32, #tpu.memory_space<vmem>> -> memref<1x128xi32, #tpu.memory_space<vmem>>
          %dma_wait3A_93 = tpu.memref_squeeze %dma_wait3A_92 : memref<1x128xi32, #tpu.memory_space<vmem>> -> memref<128xi32, #tpu.memory_space<vmem>>
          %dma_wait3A_94 = arith.constant 0 : i32
          %dma_wait3A_95 = arith.constant 0 : i32
          %dma_wait3A_96 = tpu.memref_slice %arg10[%dma_wait3A_94, %dma_wait3A_95] : memref<10240x128xf32, #tpu.memory_space<vmem_shared>> -> memref<10240x128xf32, #tpu.memory_space<vmem_shared>>
          tpu.wait_indirect_dma semaphore(%run_scoped3A_84 : memref<!tpu.dma_semaphore, #tpu.memory_space<semaphore_mem>>) src(%arg8 : memref<128x128xf32, #tpu.memory_space<vmem>>) dst(%dma_wait3A_96 : memref<10240x128xf32, #tpu.memory_space<vmem_shared>>)
          tpu.yield
        }) : () -> ()
        %add3A = arith.constant 2 : i32
        %add3A_75 = arith.addi %scan3A_43, %add3A : i32
        %dma_start3A_76 = arith.constant 0 : i32
        %dma_start3A_77 = arith.constant 0 : i32
        %dma_start3A_78 = tpu.memref_slice %arg3[%arg0, %arg1, %add3A_75, %dma_start3A_76, %dma_start3A_77] : memref<2x16x159x2x128xi32, #tpu.memory_space<hbm>> -> memref<1x1x1x2x128xi32, #tpu.memory_space<hbm>>
        %dma_start3A_79 = tpu.memref_squeeze %dma_start3A_78 : memref<1x1x1x2x128xi32, #tpu.memory_space<hbm>> -> memref<2x128xi32, #tpu.memory_space<hbm>>
        %dma_start3A_80 = arith.constant 0 : i32
        %dma_start3A_81 = arith.constant 0 : i32
        %dma_start3A_82 = tpu.memref_slice %arg3[%arg0, %arg1, %add3A_75, %dma_start3A_80, %dma_start3A_81] : memref<2x16x159x2x128xi32, #tpu.memory_space<hbm>> -> memref<1x1x1x2x128xi32, #tpu.memory_space<hbm>>
        %dma_start3A_83 = tpu.memref_squeeze %dma_start3A_82 : memref<1x1x1x2x128xi32, #tpu.memory_space<hbm>> -> memref<2x128xi32, #tpu.memory_space<hbm>>
        tpu.enqueue_dma source(%dma_start3A_83 : memref<2x128xi32, #tpu.memory_space<hbm>>) target(%arg6 : memref<2x128xi32, #tpu.memory_space<vmem>>) target_semaphore(%arg13 : memref<!tpu.dma_semaphore, #tpu.memory_space<semaphore_mem>>)
      } else {
      }
      %convert_element_type3A_57 = arith.extui %not3A_46 : i1 to i32
      %cond3A_58 = arith.constant 0 : i32
      %cond3A_59 = arith.cmpi ne, %convert_element_type3A_57, %cond3A_58 : i32
      scf.if %cond3A_59 {
        %dma_wait3A_60 = arith.constant 0 : i32
        %dma_wait3A_61 = arith.constant 0 : i32
        %dma_wait3A_62 = tpu.memref_slice %arg6[%dma_wait3A_60, %dma_wait3A_61] : memref<2x128xi32, #tpu.memory_space<vmem>> -> memref<1x128xi32, #tpu.memory_space<vmem>>
        %dma_wait3A_63 = tpu.memref_squeeze %dma_wait3A_62 : memref<1x128xi32, #tpu.memory_space<vmem>> -> memref<128xi32, #tpu.memory_space<vmem>>
        %dma_wait3A_64 = arith.constant 0 : i32
        %dma_wait3A_65 = arith.constant 0 : i32
        %dma_wait3A_66 = tpu.memref_slice %arg2[%dma_wait3A_64, %dma_wait3A_65] : memref<20480x128xf32, #tpu.memory_space<hbm>> -> memref<20480x128xf32, #tpu.memory_space<hbm>>
        tpu.wait_indirect_dma semaphore(%arg12 : memref<!tpu.dma_semaphore, #tpu.memory_space<semaphore_mem>>) src(%dma_wait3A_66 : memref<20480x128xf32, #tpu.memory_space<hbm>>) dst(%arg9 : memref<128x128xf32, #tpu.memory_space<vmem>>)
        %dma_start3A_67 = arith.constant 0 : i32
        %dma_start3A_68 = arith.constant 0 : i32
        %dma_start3A_69 = tpu.memref_slice %arg6[%dma_start3A_67, %dma_start3A_68] : memref<2x128xi32, #tpu.memory_space<vmem>> -> memref<1x128xi32, #tpu.memory_space<vmem>>
        %dma_start3A_70 = tpu.memref_squeeze %dma_start3A_69 : memref<1x128xi32, #tpu.memory_space<vmem>> -> memref<128xi32, #tpu.memory_space<vmem>>
        %dma_start3A_71 = arith.constant 0 : i32
        %dma_start3A_72 = arith.constant 0 : i32
        %dma_start3A_73 = tpu.memref_slice %arg2[%dma_start3A_71, %dma_start3A_72] : memref<20480x128xf32, #tpu.memory_space<hbm>> -> memref<20480x128xf32, #tpu.memory_space<hbm>>
        tpu.enqueue_indirect_dma source(%dma_start3A_73 : memref<20480x128xf32, #tpu.memory_space<hbm>>) target(%arg8 : memref<128x128xf32, #tpu.memory_space<vmem>>) offsets(%dma_start3A_70 : memref<128xi32, #tpu.memory_space<vmem>>) semaphore(%arg11 : memref<!tpu.dma_semaphore, #tpu.memory_space<semaphore_mem>>)
        %run_scoped3A_74 = arith.constant 1 : i32
        "tpu.region"() ({
          %run_scoped3A_84 = tpu.sem_alloc : memref<!tpu.dma_semaphore, #tpu.memory_space<semaphore_mem>>
          %dma_start3A_85 = arith.constant 0 : i32
          %dma_start3A_86 = tpu.memref_slice %arg7[%run_scoped3A_74, %dma_start3A_85] : memref<2x128xi32, #tpu.memory_space<vmem>> -> memref<1x128xi32, #tpu.memory_space<vmem>>
          %dma_start3A_87 = tpu.memref_squeeze %dma_start3A_86 : memref<1x128xi32, #tpu.memory_space<vmem>> -> memref<128xi32, #tpu.memory_space<vmem>>
          %dma_start3A_88 = arith.constant 0 : i32
          %dma_start3A_89 = arith.constant 0 : i32
          %dma_start3A_90 = tpu.memref_slice %arg10[%dma_start3A_88, %dma_start3A_89] : memref<10240x128xf32, #tpu.memory_space<vmem_shared>> -> memref<10240x128xf32, #tpu.memory_space<vmem_shared>>
          tpu.enqueue_indirect_dma source(%arg9 : memref<128x128xf32, #tpu.memory_space<vmem>>) target(%dma_start3A_90 : memref<10240x128xf32, #tpu.memory_space<vmem_shared>>) offsets(%dma_start3A_87 : memref<128xi32, #tpu.memory_space<vmem>>) semaphore(%run_scoped3A_84 : memref<!tpu.dma_semaphore, #tpu.memory_space<semaphore_mem>>) {add = true}
          %dma_wait3A_91 = arith.constant 0 : i32
          %dma_wait3A_92 = tpu.memref_slice %arg7[%run_scoped3A_74, %dma_wait3A_91] : memref<2x128xi32, #tpu.memory_space<vmem>> -> memref<1x128xi32, #tpu.memory_space<vmem>>
          %dma_wait3A_93 = tpu.memref_squeeze %dma_wait3A_92 : memref<1x128xi32, #tpu.memory_space<vmem>> -> memref<128xi32, #tpu.memory_space<vmem>>
          %dma_wait3A_94 = arith.constant 0 : i32
          %dma_wait3A_95 = arith.constant 0 : i32
          %dma_wait3A_96 = tpu.memref_slice %arg10[%dma_wait3A_94, %dma_wait3A_95] : memref<10240x128xf32, #tpu.memory_space<vmem_shared>> -> memref<10240x128xf32, #tpu.memory_space<vmem_shared>>
          tpu.wait_indirect_dma semaphore(%run_scoped3A_84 : memref<!tpu.dma_semaphore, #tpu.memory_space<semaphore_mem>>) src(%arg9 : memref<128x128xf32, #tpu.memory_space<vmem>>) dst(%dma_wait3A_96 : memref<10240x128xf32, #tpu.memory_space<vmem_shared>>)
          tpu.yield
        }) : () -> ()
        %add3A = arith.constant 2 : i32
        %add3A_75 = arith.addi %scan3A_43, %add3A : i32
        %dma_start3A_76 = arith.constant 0 : i32
        %dma_start3A_77 = arith.constant 0 : i32
        %dma_start3A_78 = tpu.memref_slice %arg3[%arg0, %arg1, %add3A_75, %dma_start3A_76, %dma_start3A_77] : memref<2x16x159x2x128xi32, #tpu.memory_space<hbm>> -> memref<1x1x1x2x128xi32, #tpu.memory_space<hbm>>
        %dma_start3A_79 = tpu.memref_squeeze %dma_start3A_78 : memref<1x1x1x2x128xi32, #tpu.memory_space<hbm>> -> memref<2x128xi32, #tpu.memory_space<hbm>>
        %dma_start3A_80 = arith.constant 0 : i32
        %dma_start3A_81 = arith.constant 0 : i32
        %dma_start3A_82 = tpu.memref_slice %arg3[%arg0, %arg1, %add3A_75, %dma_start3A_80, %dma_start3A_81] : memref<2x16x159x2x128xi32, #tpu.memory_space<hbm>> -> memref<1x1x1x2x128xi32, #tpu.memory_space<hbm>>
        %dma_start3A_83 = tpu.memref_squeeze %dma_start3A_82 : memref<1x1x1x2x128xi32, #tpu.memory_space<hbm>> -> memref<2x128xi32, #tpu.memory_space<hbm>>
        tpu.enqueue_dma source(%dma_start3A_83 : memref<2x128xi32, #tpu.memory_space<hbm>>) target(%arg7 : memref<2x128xi32, #tpu.memory_space<vmem>>) target_semaphore(%arg13 : memref<!tpu.dma_semaphore, #tpu.memory_space<semaphore_mem>>)
      } else {
      }
    }
    %scan3A_22 = arith.constant 157 : i32
    %dma_wait3A = arith.constant 0 : i32
    %dma_wait3A_23 = arith.constant 0 : i32
    %dma_wait3A_24 = tpu.memref_slice %arg6[%dma_wait3A, %dma_wait3A_23] : memref<2x128xi32, #tpu.memory_space<vmem>> -> memref<1x128xi32, #tpu.memory_space<vmem>>
    %dma_wait3A_25 = tpu.memref_squeeze %dma_wait3A_24 : memref<1x128xi32, #tpu.memory_space<vmem>> -> memref<128xi32, #tpu.memory_space<vmem>>
    %dma_wait3A_26 = arith.constant 0 : i32
    %dma_wait3A_27 = arith.constant 0 : i32
    %dma_wait3A_28 = tpu.memref_slice %arg2[%dma_wait3A_26, %dma_wait3A_27] : memref<20480x128xf32, #tpu.memory_space<hbm>> -> memref<20480x128xf32, #tpu.memory_space<hbm>>
    tpu.wait_indirect_dma semaphore(%arg12 : memref<!tpu.dma_semaphore, #tpu.memory_space<semaphore_mem>>) src(%dma_wait3A_28 : memref<20480x128xf32, #tpu.memory_space<hbm>>) dst(%arg9 : memref<128x128xf32, #tpu.memory_space<vmem>>)
    %dma_wait3A_29 = arith.constant 0 : i32
    %dma_wait3A_30 = arith.constant 0 : i32
    %dma_wait3A_31 = arith.constant 0 : i32
    %dma_wait3A_32 = tpu.memref_slice %arg3[%arg0, %arg1, %dma_wait3A_29, %dma_wait3A_30, %dma_wait3A_31] : memref<2x16x159x2x128xi32, #tpu.memory_space<hbm>> -> memref<1x1x1x2x128xi32, #tpu.memory_space<hbm>>
    %dma_wait3A_33 = tpu.memref_squeeze %dma_wait3A_32 : memref<1x1x1x2x128xi32, #tpu.memory_space<hbm>> -> memref<2x128xi32, #tpu.memory_space<hbm>>
    %dma_wait3A_34 = arith.constant 0 : i32
    %dma_wait3A_35 = arith.constant 0 : i32
    %dma_wait3A_36 = tpu.memref_slice %arg3[%arg0, %arg1, %dma_wait3A_29, %dma_wait3A_34, %dma_wait3A_35] : memref<2x16x159x2x128xi32, #tpu.memory_space<hbm>> -> memref<1x1x1x2x128xi32, #tpu.memory_space<hbm>>
    %dma_wait3A_37 = tpu.memref_squeeze %dma_wait3A_36 : memref<1x1x1x2x128xi32, #tpu.memory_space<hbm>> -> memref<2x128xi32, #tpu.memory_space<hbm>>
    tpu.wait_dma2 semaphore(%arg13 : memref<!tpu.dma_semaphore, #tpu.memory_space<semaphore_mem>>) src(%dma_wait3A_37 : memref<2x128xi32, #tpu.memory_space<hbm>>) dst(%arg6 : memref<2x128xi32, #tpu.memory_space<vmem>>)
    %barrier3A_38 = arith.constant 0 : index
    tpu.barrier barrier_id(%barrier3A_38)
    %mul3A_39 = arith.constant 640 : i32
    %mul3A_40 = arith.muli %arg1, %mul3A_39 : i32
    %mul3A_41 = arith.constant 640 : i32
    %mul3A_42 = arith.muli %arg1, %mul3A_41 : i32
    "tpu.region"() ({
      %run_scoped3A_43 = tpu.sem_alloc : memref<!tpu.dma_semaphore, #tpu.memory_space<semaphore_mem>>
      %dma_start3A_44 = arith.constant 0 : i32
      %dma_start3A_45 = tpu.memref_slice %arg5[%arg0, %mul3A_42, %dma_start3A_44] : memref<2x10240x128xf32, #tpu.memory_space<hbm>> -> memref<1x640x128xf32, #tpu.memory_space<hbm>>
      %dma_start3A_46 = tpu.memref_squeeze %dma_start3A_45 : memref<1x640x128xf32, #tpu.memory_space<hbm>> -> memref<640x128xf32, #tpu.memory_space<hbm>>
      %dma_start3A_47 = arith.constant 0 : i32
      %dma_start3A_48 = tpu.memref_slice %arg10[%mul3A_40, %dma_start3A_47] : memref<10240x128xf32, #tpu.memory_space<vmem_shared>> -> memref<640x128xf32, #tpu.memory_space<vmem_shared>>
      tpu.enqueue_dma source(%dma_start3A_48 : memref<640x128xf32, #tpu.memory_space<vmem_shared>>) target(%dma_start3A_46 : memref<640x128xf32, #tpu.memory_space<hbm>>) target_semaphore(%run_scoped3A_43 : memref<!tpu.dma_semaphore, #tpu.memory_space<semaphore_mem>>)
      %dma_wait3A_49 = arith.constant 0 : i32
      %dma_wait3A_50 = tpu.memref_slice %arg5[%arg0, %mul3A_42, %dma_wait3A_49] : memref<2x10240x128xf32, #tpu.memory_space<hbm>> -> memref<1x640x128xf32, #tpu.memory_space<hbm>>
      %dma_wait3A_51 = tpu.memref_squeeze %dma_wait3A_50 : memref<1x640x128xf32, #tpu.memory_space<hbm>> -> memref<640x128xf32, #tpu.memory_space<hbm>>
      %dma_wait3A_52 = arith.constant 0 : i32
      %dma_wait3A_53 = tpu.memref_slice %arg10[%mul3A_40, %dma_wait3A_52] : memref<10240x128xf32, #tpu.memory_space<vmem_shared>> -> memref<640x128xf32, #tpu.memory_space<vmem_shared>>
      tpu.wait_dma2 semaphore(%run_scoped3A_43 : memref<!tpu.dma_semaphore, #tpu.memory_space<semaphore_mem>>) src(%dma_wait3A_53 : memref<640x128xf32, #tpu.memory_space<vmem_shared>>) dst(%dma_wait3A_51 : memref<640x128xf32, #tpu.memory_space<hbm>>)
      tpu.yield
    }) : () -> ()
    return
  }
}

#map = affine_map<(d0, d1) -> (0, 0)>
#map1 = affine_map<(d0, d1) -> (0, 0, 0, 0, 0)>
#map2 = affine_map<(d0, d1) -> (0, 0, 0)>
module attributes {stable_mosaic.version = 14 : i64} {
  func.func @_scat_body(%arg0: i32, %arg1: i32, %arg2: memref<20480x128xf32, #tpu.memory_space<hbm>>, %arg3: memref<2x16x159x2x128xi32, #tpu.memory_space<hbm>>, %arg4: memref<10240x128xf32, #tpu.memory_space<hbm>>, %arg5: memref<2x10240x128xf32, #tpu.memory_space<hbm>>, %arg6: memref<2x128xi32, #tpu.memory_space<vmem>>, %arg7: memref<2x128xi32, #tpu.memory_space<vmem>>, %arg8: memref<128x128xf32, #tpu.memory_space<vmem>>, %arg9: memref<128x128xf32, #tpu.memory_space<vmem>>, %arg10: memref<10240x128xf32, #tpu.memory_space<vmem_shared>>, %arg11: memref<!tpu.dma_semaphore, #tpu.memory_space<semaphore_mem>>, %arg12: memref<!tpu.dma_semaphore, #tpu.memory_space<semaphore_mem>>, %arg13: memref<!tpu.dma_semaphore, #tpu.memory_space<semaphore_mem>>) attributes {dimension_semantics = [#tpu.dimension_semantics<core_parallel>, #tpu.dimension_semantics<subcore_parallel>], iteration_bounds = array<i64: 2, 16>, scalar_prefetch = 0 : i64, scratch_operands = 8 : i64, tpu.core_type = #tpu.core_type<sc_vector_subcore>, window_params = [{transform_indices = #map}, {transform_indices = #map1}, {transform_indices = #map}, {transform_indices = #map2}]} {
    %mul3A = arith.constant 640 : i32
    %mul3A_0 = arith.muli %arg1, %mul3A : i32
    %mul3A_1 = arith.constant 640 : i32
    %mul3A_2 = arith.muli %arg1, %mul3A_1 : i32
    "tpu.region"() ({
      %run_scoped3A_43 = tpu.sem_alloc : memref<!tpu.dma_semaphore, #tpu.memory_space<semaphore_mem>>
      %dma_start3A_44 = arith.constant 0 : i32
      %dma_start3A_45 = tpu.memref_slice %arg10[%mul3A_2, %dma_start3A_44] : memref<10240x128xf32, #tpu.memory_space<vmem_shared>> -> memref<640x128xf32, #tpu.memory_space<vmem_shared>>
      %dma_start3A_46 = arith.constant 0 : i32
      %dma_start3A_47 = tpu.memref_slice %arg4[%mul3A_0, %dma_start3A_46] : memref<10240x128xf32, #tpu.memory_space<hbm>> -> memref<640x128xf32, #tpu.memory_space<hbm>>
      tpu.enqueue_dma source(%dma_start3A_47 : memref<640x128xf32, #tpu.memory_space<hbm>>) target(%dma_start3A_45 : memref<640x128xf32, #tpu.memory_space<vmem_shared>>) target_semaphore(%run_scoped3A_43 : memref<!tpu.dma_semaphore, #tpu.memory_space<semaphore_mem>>)
      %dma_wait3A_48 = arith.constant 0 : i32
      %dma_wait3A_49 = tpu.memref_slice %arg10[%mul3A_2, %dma_wait3A_48] : memref<10240x128xf32, #tpu.memory_space<vmem_shared>> -> memref<640x128xf32, #tpu.memory_space<vmem_shared>>
      %dma_wait3A_50 = arith.constant 0 : i32
      %dma_wait3A_51 = tpu.memref_slice %arg4[%mul3A_0, %dma_wait3A_50] : memref<10240x128xf32, #tpu.memory_space<hbm>> -> memref<640x128xf32, #tpu.memory_space<hbm>>
      tpu.wait_dma2 semaphore(%run_scoped3A_43 : memref<!tpu.dma_semaphore, #tpu.memory_space<semaphore_mem>>) src(%dma_wait3A_51 : memref<640x128xf32, #tpu.memory_space<hbm>>) dst(%dma_wait3A_49 : memref<640x128xf32, #tpu.memory_space<vmem_shared>>)
      tpu.yield
    }) : () -> ()
    %barrier3A = arith.constant 0 : index
    tpu.barrier barrier_id(%barrier3A)
    %run_scoped3A = arith.constant 0 : i32
    "tpu.region"() ({
      %run_scoped3A_43 = tpu.sem_alloc : memref<!tpu.dma_semaphore, #tpu.memory_space<semaphore_mem>>
      %dma_start3A_44 = arith.constant 0 : i32
      %dma_start3A_45 = arith.constant 0 : i32
      %dma_start3A_46 = tpu.memref_slice %arg3[%arg0, %arg1, %run_scoped3A, %dma_start3A_44, %dma_start3A_45] : memref<2x16x159x2x128xi32, #tpu.memory_space<hbm>> -> memref<1x1x1x2x128xi32, #tpu.memory_space<hbm>>
      %dma_start3A_47 = tpu.memref_squeeze %dma_start3A_46 : memref<1x1x1x2x128xi32, #tpu.memory_space<hbm>> -> memref<2x128xi32, #tpu.memory_space<hbm>>
      %dma_start3A_48 = arith.constant 0 : i32
      %dma_start3A_49 = arith.constant 0 : i32
      %dma_start3A_50 = tpu.memref_slice %arg3[%arg0, %arg1, %run_scoped3A, %dma_start3A_48, %dma_start3A_49] : memref<2x16x159x2x128xi32, #tpu.memory_space<hbm>> -> memref<1x1x1x2x128xi32, #tpu.memory_space<hbm>>
      %dma_start3A_51 = tpu.memref_squeeze %dma_start3A_50 : memref<1x1x1x2x128xi32, #tpu.memory_space<hbm>> -> memref<2x128xi32, #tpu.memory_space<hbm>>
      tpu.enqueue_dma source(%dma_start3A_51 : memref<2x128xi32, #tpu.memory_space<hbm>>) target(%arg6 : memref<2x128xi32, #tpu.memory_space<vmem>>) target_semaphore(%run_scoped3A_43 : memref<!tpu.dma_semaphore, #tpu.memory_space<semaphore_mem>>)
      %dma_wait3A_52 = arith.constant 0 : i32
      %dma_wait3A_53 = arith.constant 0 : i32
      %dma_wait3A_54 = tpu.memref_slice %arg3[%arg0, %arg1, %run_scoped3A, %dma_wait3A_52, %dma_wait3A_53] : memref<2x16x159x2x128xi32, #tpu.memory_space<hbm>> -> memref<1x1x1x2x128xi32, #tpu.memory_space<hbm>>
      %dma_wait3A_55 = tpu.memref_squeeze %dma_wait3A_54 : memref<1x1x1x2x128xi32, #tpu.memory_space<hbm>> -> memref<2x128xi32, #tpu.memory_space<hbm>>
      %dma_wait3A_56 = arith.constant 0 : i32
      %dma_wait3A_57 = arith.constant 0 : i32
      %dma_wait3A_58 = tpu.memref_slice %arg3[%arg0, %arg1, %run_scoped3A, %dma_wait3A_56, %dma_wait3A_57] : memref<2x16x159x2x128xi32, #tpu.memory_space<hbm>> -> memref<1x1x1x2x128xi32, #tpu.memory_space<hbm>>
      %dma_wait3A_59 = tpu.memref_squeeze %dma_wait3A_58 : memref<1x1x1x2x128xi32, #tpu.memory_space<hbm>> -> memref<2x128xi32, #tpu.memory_space<hbm>>
      tpu.wait_dma2 semaphore(%run_scoped3A_43 : memref<!tpu.dma_semaphore, #tpu.memory_space<semaphore_mem>>) src(%dma_wait3A_59 : memref<2x128xi32, #tpu.memory_space<hbm>>) dst(%arg6 : memref<2x128xi32, #tpu.memory_space<vmem>>)
      tpu.yield
    }) : () -> ()
    %dma_start3A = arith.constant 0 : i32
    %dma_start3A_3 = arith.constant 0 : i32
    %dma_start3A_4 = tpu.memref_slice %arg6[%dma_start3A, %dma_start3A_3] : memref<2x128xi32, #tpu.memory_space<vmem>> -> memref<1x128xi32, #tpu.memory_space<vmem>>
    %dma_start3A_5 = tpu.memref_squeeze %dma_start3A_4 : memref<1x128xi32, #tpu.memory_space<vmem>> -> memref<128xi32, #tpu.memory_space<vmem>>
    %dma_start3A_6 = arith.constant 0 : i32
    %dma_start3A_7 = arith.constant 0 : i32
    %dma_start3A_8 = tpu.memref_slice %arg2[%dma_start3A_6, %dma_start3A_7] : memref<20480x128xf32, #tpu.memory_space<hbm>> -> memref<20480x128xf32, #tpu.memory_space<hbm>>
    tpu.enqueue_indirect_dma source(%dma_start3A_8 : memref<20480x128xf32, #tpu.memory_space<hbm>>) target(%arg8 : memref<128x128xf32, #tpu.memory_space<vmem>>) offsets(%dma_start3A_5 : memref<128xi32, #tpu.memory_space<vmem>>) semaphore(%arg11 : memref<!tpu.dma_semaphore, #tpu.memory_space<semaphore_mem>>)
    %dma_start3A_9 = arith.constant 1 : i32
    %dma_start3A_10 = arith.constant 0 : i32
    %dma_start3A_11 = arith.constant 0 : i32
    %dma_start3A_12 = tpu.memref_slice %arg3[%arg0, %arg1, %dma_start3A_9, %dma_start3A_10, %dma_start3A_11] : memref<2x16x159x2x128xi32, #tpu.memory_space<hbm>> -> memref<1x1x1x2x128xi32, #tpu.memory_space<hbm>>
    %dma_start3A_13 = tpu.memref_squeeze %dma_start3A_12 : memref<1x1x1x2x128xi32, #tpu.memory_space<hbm>> -> memref<2x128xi32, #tpu.memory_space<hbm>>
    %dma_start3A_14 = arith.constant 0 : i32
    %dma_start3A_15 = arith.constant 0 : i32
    %dma_start3A_16 = tpu.memref_slice %arg3[%arg0, %arg1, %dma_start3A_9, %dma_start3A_14, %dma_start3A_15] : memref<2x16x159x2x128xi32, #tpu.memory_space<hbm>> -> memref<1x1x1x2x128xi32, #tpu.memory_space<hbm>>
    %dma_start3A_17 = tpu.memref_squeeze %dma_start3A_16 : memref<1x1x1x2x128xi32, #tpu.memory_space<hbm>> -> memref<2x128xi32, #tpu.memory_space<hbm>>
    tpu.enqueue_dma source(%dma_start3A_17 : memref<2x128xi32, #tpu.memory_space<hbm>>) target(%arg7 : memref<2x128xi32, #tpu.memory_space<vmem>>) target_semaphore(%arg13 : memref<!tpu.dma_semaphore, #tpu.memory_space<semaphore_mem>>)
    %scan3A = arith.constant 0 : i32
    %scan3A_18 = arith.constant 0 : i32
    %scan3A_19 = arith.constant 157 : i32
    %scan3A_20 = arith.addi %scan3A_18, %scan3A_19 : i32
    %scan3A_21 = arith.constant 1 : i32
    scf.for %scan3A_43 = %scan3A_18 to %scan3A_20 step %scan3A_21  : i32 {
      %rem3A = arith.constant 2 : i32
      %rem3A_44 = arith.remsi %scan3A_43, %rem3A : i32
      %eq3A = arith.constant 0 : i32
      %eq3A_45 = arith.cmpi eq, %rem3A_44, %eq3A : i32
      %not3A = arith.constant true
      %not3A_46 = arith.xori %eq3A_45, %not3A : i1
      %dma_wait3A_47 = arith.constant 0 : i32
      %dma_wait3A_48 = arith.constant 0 : i32
      %dma_wait3A_49 = arith.constant 0 : i32
      %dma_wait3A_50 = tpu.memref_slice %arg3[%arg0, %arg1, %dma_wait3A_47, %dma_wait3A_48, %dma_wait3A_49] : memref<2x16x159x2x128xi32, #tpu.memory_space<hbm>> -> memref<1x1x1x2x128xi32, #tpu.memory_space<hbm>>
      %dma_wait3A_51 = tpu.memref_squeeze %dma_wait3A_50 : memref<1x1x1x2x128xi32, #tpu.memory_space<hbm>> -> memref<2x128xi32, #tpu.memory_space<hbm>>
      %dma_wait3A_52 = arith.constant 0 : i32
      %dma_wait3A_53 = arith.constant 0 : i32
      %dma_wait3A_54 = tpu.memref_slice %arg3[%arg0, %arg1, %dma_wait3A_47, %dma_wait3A_52, %dma_wait3A_53] : memref<2x16x159x2x128xi32, #tpu.memory_space<hbm>> -> memref<1x1x1x2x128xi32, #tpu.memory_space<hbm>>
      %dma_wait3A_55 = tpu.memref_squeeze %dma_wait3A_54 : memref<1x1x1x2x128xi32, #tpu.memory_space<hbm>> -> memref<2x128xi32, #tpu.memory_space<hbm>>
      tpu.wait_dma2 semaphore(%arg13 : memref<!tpu.dma_semaphore, #tpu.memory_space<semaphore_mem>>) src(%dma_wait3A_55 : memref<2x128xi32, #tpu.memory_space<hbm>>) dst(%arg6 : memref<2x128xi32, #tpu.memory_space<vmem>>)
      %convert_element_type3A = arith.extui %eq3A_45 : i1 to i32
      %cond3A = arith.constant 0 : i32
      %cond3A_56 = arith.cmpi ne, %convert_element_type3A, %cond3A : i32
      scf.if %cond3A_56 {
        %dma_wait3A_60 = arith.constant 0 : i32
        %dma_wait3A_61 = arith.constant 0 : i32
        %dma_wait3A_62 = tpu.memref_slice %arg6[%dma_wait3A_60, %dma_wait3A_61] : memref<2x128xi32, #tpu.memory_space<vmem>> -> memref<1x128xi32, #tpu.memory_space<vmem>>
        %dma_wait3A_63 = tpu.memref_squeeze %dma_wait3A_62 : memref<1x128xi32, #tpu.memory_space<vmem>> -> memref<128xi32, #tpu.memory_space<vmem>>
        %dma_wait3A_64 = arith.constant 0 : i32
        %dma_wait3A_65 = arith.constant 0 : i32
        %dma_wait3A_66 = tpu.memref_slice %arg2[%dma_wait3A_64, %dma_wait3A_65] : memref<20480x128xf32, #tpu.memory_space<hbm>> -> memref<20480x128xf32, #tpu.memory_space<hbm>>
        tpu.wait_indirect_dma semaphore(%arg11 : memref<!tpu.dma_semaphore, #tpu.memory_space<semaphore_mem>>) src(%dma_wait3A_66 : memref<20480x128xf32, #tpu.memory_space<hbm>>) dst(%arg8 : memref<128x128xf32, #tpu.memory_space<vmem>>)
        %dma_start3A_67 = arith.constant 0 : i32
        %dma_start3A_68 = arith.constant 0 : i32
        %dma_start3A_69 = tpu.memref_slice %arg7[%dma_start3A_67, %dma_start3A_68] : memref<2x128xi32, #tpu.memory_space<vmem>> -> memref<1x128xi32, #tpu.memory_space<vmem>>
        %dma_start3A_70 = tpu.memref_squeeze %dma_start3A_69 : memref<1x128xi32, #tpu.memory_space<vmem>> -> memref<128xi32, #tpu.memory_space<vmem>>
        %dma_start3A_71 = arith.constant 0 : i32
        %dma_start3A_72 = arith.constant 0 : i32
        %dma_start3A_73 = tpu.memref_slice %arg2[%dma_start3A_71, %dma_start3A_72] : memref<20480x128xf32, #tpu.memory_space<hbm>> -> memref<20480x128xf32, #tpu.memory_space<hbm>>
        tpu.enqueue_indirect_dma source(%dma_start3A_73 : memref<20480x128xf32, #tpu.memory_space<hbm>>) target(%arg9 : memref<128x128xf32, #tpu.memory_space<vmem>>) offsets(%dma_start3A_70 : memref<128xi32, #tpu.memory_space<vmem>>) semaphore(%arg12 : memref<!tpu.dma_semaphore, #tpu.memory_space<semaphore_mem>>)
        %run_scoped3A_74 = arith.constant 1 : i32
        "tpu.region"() ({
          %run_scoped3A_84 = tpu.sem_alloc : memref<!tpu.dma_semaphore, #tpu.memory_space<semaphore_mem>>
          %dma_start3A_85 = arith.constant 0 : i32
          %dma_start3A_86 = tpu.memref_slice %arg6[%run_scoped3A_74, %dma_start3A_85] : memref<2x128xi32, #tpu.memory_space<vmem>> -> memref<1x128xi32, #tpu.memory_space<vmem>>
          %dma_start3A_87 = tpu.memref_squeeze %dma_start3A_86 : memref<1x128xi32, #tpu.memory_space<vmem>> -> memref<128xi32, #tpu.memory_space<vmem>>
          %dma_start3A_88 = arith.constant 0 : i32
          %dma_start3A_89 = arith.constant 0 : i32
          %dma_start3A_90 = tpu.memref_slice %arg10[%dma_start3A_88, %dma_start3A_89] : memref<10240x128xf32, #tpu.memory_space<vmem_shared>> -> memref<10240x128xf32, #tpu.memory_space<vmem_shared>>
          tpu.enqueue_indirect_dma source(%arg8 : memref<128x128xf32, #tpu.memory_space<vmem>>) target(%dma_start3A_90 : memref<10240x128xf32, #tpu.memory_space<vmem_shared>>) offsets(%dma_start3A_87 : memref<128xi32, #tpu.memory_space<vmem>>) semaphore(%run_scoped3A_84 : memref<!tpu.dma_semaphore, #tpu.memory_space<semaphore_mem>>) {add = true}
          %dma_wait3A_91 = arith.constant 0 : i32
          %dma_wait3A_92 = tpu.memref_slice %arg6[%run_scoped3A_74, %dma_wait3A_91] : memref<2x128xi32, #tpu.memory_space<vmem>> -> memref<1x128xi32, #tpu.memory_space<vmem>>
          %dma_wait3A_93 = tpu.memref_squeeze %dma_wait3A_92 : memref<1x128xi32, #tpu.memory_space<vmem>> -> memref<128xi32, #tpu.memory_space<vmem>>
          %dma_wait3A_94 = arith.constant 0 : i32
          %dma_wait3A_95 = arith.constant 0 : i32
          %dma_wait3A_96 = tpu.memref_slice %arg10[%dma_wait3A_94, %dma_wait3A_95] : memref<10240x128xf32, #tpu.memory_space<vmem_shared>> -> memref<10240x128xf32, #tpu.memory_space<vmem_shared>>
          tpu.wait_indirect_dma semaphore(%run_scoped3A_84 : memref<!tpu.dma_semaphore, #tpu.memory_space<semaphore_mem>>) src(%arg8 : memref<128x128xf32, #tpu.memory_space<vmem>>) dst(%dma_wait3A_96 : memref<10240x128xf32, #tpu.memory_space<vmem_shared>>)
          tpu.yield
        }) : () -> ()
        %add3A = arith.constant 2 : i32
        %add3A_75 = arith.addi %scan3A_43, %add3A : i32
        %dma_start3A_76 = arith.constant 0 : i32
        %dma_start3A_77 = arith.constant 0 : i32
        %dma_start3A_78 = tpu.memref_slice %arg3[%arg0, %arg1, %add3A_75, %dma_start3A_76, %dma_start3A_77] : memref<2x16x159x2x128xi32, #tpu.memory_space<hbm>> -> memref<1x1x1x2x128xi32, #tpu.memory_space<hbm>>
        %dma_start3A_79 = tpu.memref_squeeze %dma_start3A_78 : memref<1x1x1x2x128xi32, #tpu.memory_space<hbm>> -> memref<2x128xi32, #tpu.memory_space<hbm>>
        %dma_start3A_80 = arith.constant 0 : i32
        %dma_start3A_81 = arith.constant 0 : i32
        %dma_start3A_82 = tpu.memref_slice %arg3[%arg0, %arg1, %add3A_75, %dma_start3A_80, %dma_start3A_81] : memref<2x16x159x2x128xi32, #tpu.memory_space<hbm>> -> memref<1x1x1x2x128xi32, #tpu.memory_space<hbm>>
        %dma_start3A_83 = tpu.memref_squeeze %dma_start3A_82 : memref<1x1x1x2x128xi32, #tpu.memory_space<hbm>> -> memref<2x128xi32, #tpu.memory_space<hbm>>
        tpu.enqueue_dma source(%dma_start3A_83 : memref<2x128xi32, #tpu.memory_space<hbm>>) target(%arg6 : memref<2x128xi32, #tpu.memory_space<vmem>>) target_semaphore(%arg13 : memref<!tpu.dma_semaphore, #tpu.memory_space<semaphore_mem>>)
      } else {
      }
      %convert_element_type3A_57 = arith.extui %not3A_46 : i1 to i32
      %cond3A_58 = arith.constant 0 : i32
      %cond3A_59 = arith.cmpi ne, %convert_element_type3A_57, %cond3A_58 : i32
      scf.if %cond3A_59 {
        %dma_wait3A_60 = arith.constant 0 : i32
        %dma_wait3A_61 = arith.constant 0 : i32
        %dma_wait3A_62 = tpu.memref_slice %arg6[%dma_wait3A_60, %dma_wait3A_61] : memref<2x128xi32, #tpu.memory_space<vmem>> -> memref<1x128xi32, #tpu.memory_space<vmem>>
        %dma_wait3A_63 = tpu.memref_squeeze %dma_wait3A_62 : memref<1x128xi32, #tpu.memory_space<vmem>> -> memref<128xi32, #tpu.memory_space<vmem>>
        %dma_wait3A_64 = arith.constant 0 : i32
        %dma_wait3A_65 = arith.constant 0 : i32
        %dma_wait3A_66 = tpu.memref_slice %arg2[%dma_wait3A_64, %dma_wait3A_65] : memref<20480x128xf32, #tpu.memory_space<hbm>> -> memref<20480x128xf32, #tpu.memory_space<hbm>>
        tpu.wait_indirect_dma semaphore(%arg12 : memref<!tpu.dma_semaphore, #tpu.memory_space<semaphore_mem>>) src(%dma_wait3A_66 : memref<20480x128xf32, #tpu.memory_space<hbm>>) dst(%arg9 : memref<128x128xf32, #tpu.memory_space<vmem>>)
        %dma_start3A_67 = arith.constant 0 : i32
        %dma_start3A_68 = arith.constant 0 : i32
        %dma_start3A_69 = tpu.memref_slice %arg6[%dma_start3A_67, %dma_start3A_68] : memref<2x128xi32, #tpu.memory_space<vmem>> -> memref<1x128xi32, #tpu.memory_space<vmem>>
        %dma_start3A_70 = tpu.memref_squeeze %dma_start3A_69 : memref<1x128xi32, #tpu.memory_space<vmem>> -> memref<128xi32, #tpu.memory_space<vmem>>
        %dma_start3A_71 = arith.constant 0 : i32
        %dma_start3A_72 = arith.constant 0 : i32
        %dma_start3A_73 = tpu.memref_slice %arg2[%dma_start3A_71, %dma_start3A_72] : memref<20480x128xf32, #tpu.memory_space<hbm>> -> memref<20480x128xf32, #tpu.memory_space<hbm>>
        tpu.enqueue_indirect_dma source(%dma_start3A_73 : memref<20480x128xf32, #tpu.memory_space<hbm>>) target(%arg8 : memref<128x128xf32, #tpu.memory_space<vmem>>) offsets(%dma_start3A_70 : memref<128xi32, #tpu.memory_space<vmem>>) semaphore(%arg11 : memref<!tpu.dma_semaphore, #tpu.memory_space<semaphore_mem>>)
        %run_scoped3A_74 = arith.constant 1 : i32
        "tpu.region"() ({
          %run_scoped3A_84 = tpu.sem_alloc : memref<!tpu.dma_semaphore, #tpu.memory_space<semaphore_mem>>
          %dma_start3A_85 = arith.constant 0 : i32
          %dma_start3A_86 = tpu.memref_slice %arg7[%run_scoped3A_74, %dma_start3A_85] : memref<2x128xi32, #tpu.memory_space<vmem>> -> memref<1x128xi32, #tpu.memory_space<vmem>>
          %dma_start3A_87 = tpu.memref_squeeze %dma_start3A_86 : memref<1x128xi32, #tpu.memory_space<vmem>> -> memref<128xi32, #tpu.memory_space<vmem>>
          %dma_start3A_88 = arith.constant 0 : i32
          %dma_start3A_89 = arith.constant 0 : i32
          %dma_start3A_90 = tpu.memref_slice %arg10[%dma_start3A_88, %dma_start3A_89] : memref<10240x128xf32, #tpu.memory_space<vmem_shared>> -> memref<10240x128xf32, #tpu.memory_space<vmem_shared>>
          tpu.enqueue_indirect_dma source(%arg9 : memref<128x128xf32, #tpu.memory_space<vmem>>) target(%dma_start3A_90 : memref<10240x128xf32, #tpu.memory_space<vmem_shared>>) offsets(%dma_start3A_87 : memref<128xi32, #tpu.memory_space<vmem>>) semaphore(%run_scoped3A_84 : memref<!tpu.dma_semaphore, #tpu.memory_space<semaphore_mem>>) {add = true}
          %dma_wait3A_91 = arith.constant 0 : i32
          %dma_wait3A_92 = tpu.memref_slice %arg7[%run_scoped3A_74, %dma_wait3A_91] : memref<2x128xi32, #tpu.memory_space<vmem>> -> memref<1x128xi32, #tpu.memory_space<vmem>>
          %dma_wait3A_93 = tpu.memref_squeeze %dma_wait3A_92 : memref<1x128xi32, #tpu.memory_space<vmem>> -> memref<128xi32, #tpu.memory_space<vmem>>
          %dma_wait3A_94 = arith.constant 0 : i32
          %dma_wait3A_95 = arith.constant 0 : i32
          %dma_wait3A_96 = tpu.memref_slice %arg10[%dma_wait3A_94, %dma_wait3A_95] : memref<10240x128xf32, #tpu.memory_space<vmem_shared>> -> memref<10240x128xf32, #tpu.memory_space<vmem_shared>>
          tpu.wait_indirect_dma semaphore(%run_scoped3A_84 : memref<!tpu.dma_semaphore, #tpu.memory_space<semaphore_mem>>) src(%arg9 : memref<128x128xf32, #tpu.memory_space<vmem>>) dst(%dma_wait3A_96 : memref<10240x128xf32, #tpu.memory_space<vmem_shared>>)
          tpu.yield
        }) : () -> ()
        %add3A = arith.constant 2 : i32
        %add3A_75 = arith.addi %scan3A_43, %add3A : i32
        %dma_start3A_76 = arith.constant 0 : i32
        %dma_start3A_77 = arith.constant 0 : i32
        %dma_start3A_78 = tpu.memref_slice %arg3[%arg0, %arg1, %add3A_75, %dma_start3A_76, %dma_start3A_77] : memref<2x16x159x2x128xi32, #tpu.memory_space<hbm>> -> memref<1x1x1x2x128xi32, #tpu.memory_space<hbm>>
        %dma_start3A_79 = tpu.memref_squeeze %dma_start3A_78 : memref<1x1x1x2x128xi32, #tpu.memory_space<hbm>> -> memref<2x128xi32, #tpu.memory_space<hbm>>
        %dma_start3A_80 = arith.constant 0 : i32
        %dma_start3A_81 = arith.constant 0 : i32
        %dma_start3A_82 = tpu.memref_slice %arg3[%arg0, %arg1, %add3A_75, %dma_start3A_80, %dma_start3A_81] : memref<2x16x159x2x128xi32, #tpu.memory_space<hbm>> -> memref<1x1x1x2x128xi32, #tpu.memory_space<hbm>>
        %dma_start3A_83 = tpu.memref_squeeze %dma_start3A_82 : memref<1x1x1x2x128xi32, #tpu.memory_space<hbm>> -> memref<2x128xi32, #tpu.memory_space<hbm>>
        tpu.enqueue_dma source(%dma_start3A_83 : memref<2x128xi32, #tpu.memory_space<hbm>>) target(%arg7 : memref<2x128xi32, #tpu.memory_space<vmem>>) target_semaphore(%arg13 : memref<!tpu.dma_semaphore, #tpu.memory_space<semaphore_mem>>)
      } else {
      }
    }
    %scan3A_22 = arith.constant 157 : i32
    %dma_wait3A = arith.constant 0 : i32
    %dma_wait3A_23 = arith.constant 0 : i32
    %dma_wait3A_24 = tpu.memref_slice %arg6[%dma_wait3A, %dma_wait3A_23] : memref<2x128xi32, #tpu.memory_space<vmem>> -> memref<1x128xi32, #tpu.memory_space<vmem>>
    %dma_wait3A_25 = tpu.memref_squeeze %dma_wait3A_24 : memref<1x128xi32, #tpu.memory_space<vmem>> -> memref<128xi32, #tpu.memory_space<vmem>>
    %dma_wait3A_26 = arith.constant 0 : i32
    %dma_wait3A_27 = arith.constant 0 : i32
    %dma_wait3A_28 = tpu.memref_slice %arg2[%dma_wait3A_26, %dma_wait3A_27] : memref<20480x128xf32, #tpu.memory_space<hbm>> -> memref<20480x128xf32, #tpu.memory_space<hbm>>
    tpu.wait_indirect_dma semaphore(%arg12 : memref<!tpu.dma_semaphore, #tpu.memory_space<semaphore_mem>>) src(%dma_wait3A_28 : memref<20480x128xf32, #tpu.memory_space<hbm>>) dst(%arg9 : memref<128x128xf32, #tpu.memory_space<vmem>>)
    %dma_wait3A_29 = arith.constant 0 : i32
    %dma_wait3A_30 = arith.constant 0 : i32
    %dma_wait3A_31 = arith.constant 0 : i32
    %dma_wait3A_32 = tpu.memref_slice %arg3[%arg0, %arg1, %dma_wait3A_29, %dma_wait3A_30, %dma_wait3A_31] : memref<2x16x159x2x128xi32, #tpu.memory_space<hbm>> -> memref<1x1x1x2x128xi32, #tpu.memory_space<hbm>>
    %dma_wait3A_33 = tpu.memref_squeeze %dma_wait3A_32 : memref<1x1x1x2x128xi32, #tpu.memory_space<hbm>> -> memref<2x128xi32, #tpu.memory_space<hbm>>
    %dma_wait3A_34 = arith.constant 0 : i32
    %dma_wait3A_35 = arith.constant 0 : i32
    %dma_wait3A_36 = tpu.memref_slice %arg3[%arg0, %arg1, %dma_wait3A_29, %dma_wait3A_34, %dma_wait3A_35] : memref<2x16x159x2x128xi32, #tpu.memory_space<hbm>> -> memref<1x1x1x2x128xi32, #tpu.memory_space<hbm>>
    %dma_wait3A_37 = tpu.memref_squeeze %dma_wait3A_36 : memref<1x1x1x2x128xi32, #tpu.memory_space<hbm>> -> memref<2x128xi32, #tpu.memory_space<hbm>>
    tpu.wait_dma2 semaphore(%arg13 : memref<!tpu.dma_semaphore, #tpu.memory_space<semaphore_mem>>) src(%dma_wait3A_37 : memref<2x128xi32, #tpu.memory_space<hbm>>) dst(%arg6 : memref<2x128xi32, #tpu.memory_space<vmem>>)
    %barrier3A_38 = arith.constant 0 : index
    tpu.barrier barrier_id(%barrier3A_38)
    %mul3A_39 = arith.constant 640 : i32
    %mul3A_40 = arith.muli %arg1, %mul3A_39 : i32
    %mul3A_41 = arith.constant 640 : i32
    %mul3A_42 = arith.muli %arg1, %mul3A_41 : i32
    "tpu.region"() ({
      %run_scoped3A_43 = tpu.sem_alloc : memref<!tpu.dma_semaphore, #tpu.memory_space<semaphore_mem>>
      %dma_start3A_44 = arith.constant 0 : i32
      %dma_start3A_45 = tpu.memref_slice %arg5[%arg0, %mul3A_42, %dma_start3A_44] : memref<2x10240x128xf32, #tpu.memory_space<hbm>> -> memref<1x640x128xf32, #tpu.memory_space<hbm>>
      %dma_start3A_46 = tpu.memref_squeeze %dma_start3A_45 : memref<1x640x128xf32, #tpu.memory_space<hbm>> -> memref<640x128xf32, #tpu.memory_space<hbm>>
      %dma_start3A_47 = arith.constant 0 : i32
      %dma_start3A_48 = tpu.memref_slice %arg10[%mul3A_40, %dma_start3A_47] : memref<10240x128xf32, #tpu.memory_space<vmem_shared>> -> memref<640x128xf32, #tpu.memory_space<vmem_shared>>
      tpu.enqueue_dma source(%dma_start3A_48 : memref<640x128xf32, #tpu.memory_space<vmem_shared>>) target(%dma_start3A_46 : memref<640x128xf32, #tpu.memory_space<hbm>>) target_semaphore(%run_scoped3A_43 : memref<!tpu.dma_semaphore, #tpu.memory_space<semaphore_mem>>)
      %dma_wait3A_49 = arith.constant 0 : i32
      %dma_wait3A_50 = tpu.memref_slice %arg5[%arg0, %mul3A_42, %dma_wait3A_49] : memref<2x10240x128xf32, #tpu.memory_space<hbm>> -> memref<1x640x128xf32, #tpu.memory_space<hbm>>
      %dma_wait3A_51 = tpu.memref_squeeze %dma_wait3A_50 : memref<1x640x128xf32, #tpu.memory_space<hbm>> -> memref<640x128xf32, #tpu.memory_space<hbm>>
      %dma_wait3A_52 = arith.constant 0 : i32
      %dma_wait3A_53 = tpu.memref_slice %arg10[%mul3A_40, %dma_wait3A_52] : memref<10240x128xf32, #tpu.memory_space<vmem_shared>> -> memref<640x128xf32, #tpu.memory_space<vmem_shared>>
      tpu.wait_dma2 semaphore(%run_scoped3A_43 : memref<!tpu.dma_semaphore, #tpu.memory_space<semaphore_mem>>) src(%dma_wait3A_53 : memref<640x128xf32, #tpu.memory_space<vmem_shared>>) dst(%dma_wait3A_51 : memref<640x128xf32, #tpu.memory_space<hbm>>)
      tpu.yield
    }) : () -> ()
    return
  }
}

#map = affine_map<(d0, d1) -> (0, 0)>
#map1 = affine_map<(d0, d1) -> (0, 0, 0, 0, 0)>
#map2 = affine_map<(d0, d1) -> (0, 0, 0)>
module attributes {stable_mosaic.version = 14 : i64} {
  func.func @_scat_body(%arg0: i32, %arg1: i32, %arg2: memref<20480x128xf32, #tpu.memory_space<hbm>>, %arg3: memref<2x16x159x2x128xi32, #tpu.memory_space<hbm>>, %arg4: memref<10240x128xf32, #tpu.memory_space<hbm>>, %arg5: memref<2x10240x128xf32, #tpu.memory_space<hbm>>, %arg6: memref<2x128xi32, #tpu.memory_space<vmem>>, %arg7: memref<2x128xi32, #tpu.memory_space<vmem>>, %arg8: memref<128x128xf32, #tpu.memory_space<vmem>>, %arg9: memref<128x128xf32, #tpu.memory_space<vmem>>, %arg10: memref<10240x128xf32, #tpu.memory_space<vmem_shared>>, %arg11: memref<!tpu.dma_semaphore, #tpu.memory_space<semaphore_mem>>, %arg12: memref<!tpu.dma_semaphore, #tpu.memory_space<semaphore_mem>>, %arg13: memref<!tpu.dma_semaphore, #tpu.memory_space<semaphore_mem>>) attributes {dimension_semantics = [#tpu.dimension_semantics<core_parallel>, #tpu.dimension_semantics<subcore_parallel>], iteration_bounds = array<i64: 2, 16>, scalar_prefetch = 0 : i64, scratch_operands = 8 : i64, tpu.core_type = #tpu.core_type<sc_vector_subcore>, window_params = [{transform_indices = #map}, {transform_indices = #map1}, {transform_indices = #map}, {transform_indices = #map2}]} {
    %mul3A = arith.constant 640 : i32
    %mul3A_0 = arith.muli %arg1, %mul3A : i32
    %mul3A_1 = arith.constant 640 : i32
    %mul3A_2 = arith.muli %arg1, %mul3A_1 : i32
    "tpu.region"() ({
      %run_scoped3A_43 = tpu.sem_alloc : memref<!tpu.dma_semaphore, #tpu.memory_space<semaphore_mem>>
      %dma_start3A_44 = arith.constant 0 : i32
      %dma_start3A_45 = tpu.memref_slice %arg10[%mul3A_2, %dma_start3A_44] : memref<10240x128xf32, #tpu.memory_space<vmem_shared>> -> memref<640x128xf32, #tpu.memory_space<vmem_shared>>
      %dma_start3A_46 = arith.constant 0 : i32
      %dma_start3A_47 = tpu.memref_slice %arg4[%mul3A_0, %dma_start3A_46] : memref<10240x128xf32, #tpu.memory_space<hbm>> -> memref<640x128xf32, #tpu.memory_space<hbm>>
      tpu.enqueue_dma source(%dma_start3A_47 : memref<640x128xf32, #tpu.memory_space<hbm>>) target(%dma_start3A_45 : memref<640x128xf32, #tpu.memory_space<vmem_shared>>) target_semaphore(%run_scoped3A_43 : memref<!tpu.dma_semaphore, #tpu.memory_space<semaphore_mem>>)
      %dma_wait3A_48 = arith.constant 0 : i32
      %dma_wait3A_49 = tpu.memref_slice %arg10[%mul3A_2, %dma_wait3A_48] : memref<10240x128xf32, #tpu.memory_space<vmem_shared>> -> memref<640x128xf32, #tpu.memory_space<vmem_shared>>
      %dma_wait3A_50 = arith.constant 0 : i32
      %dma_wait3A_51 = tpu.memref_slice %arg4[%mul3A_0, %dma_wait3A_50] : memref<10240x128xf32, #tpu.memory_space<hbm>> -> memref<640x128xf32, #tpu.memory_space<hbm>>
      tpu.wait_dma2 semaphore(%run_scoped3A_43 : memref<!tpu.dma_semaphore, #tpu.memory_space<semaphore_mem>>) src(%dma_wait3A_51 : memref<640x128xf32, #tpu.memory_space<hbm>>) dst(%dma_wait3A_49 : memref<640x128xf32, #tpu.memory_space<vmem_shared>>)
      tpu.yield
    }) : () -> ()
    %barrier3A = arith.constant 0 : index
    tpu.barrier barrier_id(%barrier3A)
    %run_scoped3A = arith.constant 0 : i32
    "tpu.region"() ({
      %run_scoped3A_43 = tpu.sem_alloc : memref<!tpu.dma_semaphore, #tpu.memory_space<semaphore_mem>>
      %dma_start3A_44 = arith.constant 0 : i32
      %dma_start3A_45 = arith.constant 0 : i32
      %dma_start3A_46 = tpu.memref_slice %arg3[%arg0, %arg1, %run_scoped3A, %dma_start3A_44, %dma_start3A_45] : memref<2x16x159x2x128xi32, #tpu.memory_space<hbm>> -> memref<1x1x1x2x128xi32, #tpu.memory_space<hbm>>
      %dma_start3A_47 = tpu.memref_squeeze %dma_start3A_46 : memref<1x1x1x2x128xi32, #tpu.memory_space<hbm>> -> memref<2x128xi32, #tpu.memory_space<hbm>>
      %dma_start3A_48 = arith.constant 0 : i32
      %dma_start3A_49 = arith.constant 0 : i32
      %dma_start3A_50 = tpu.memref_slice %arg3[%arg0, %arg1, %run_scoped3A, %dma_start3A_48, %dma_start3A_49] : memref<2x16x159x2x128xi32, #tpu.memory_space<hbm>> -> memref<1x1x1x2x128xi32, #tpu.memory_space<hbm>>
      %dma_start3A_51 = tpu.memref_squeeze %dma_start3A_50 : memref<1x1x1x2x128xi32, #tpu.memory_space<hbm>> -> memref<2x128xi32, #tpu.memory_space<hbm>>
      tpu.enqueue_dma source(%dma_start3A_51 : memref<2x128xi32, #tpu.memory_space<hbm>>) target(%arg6 : memref<2x128xi32, #tpu.memory_space<vmem>>) target_semaphore(%run_scoped3A_43 : memref<!tpu.dma_semaphore, #tpu.memory_space<semaphore_mem>>)
      %dma_wait3A_52 = arith.constant 0 : i32
      %dma_wait3A_53 = arith.constant 0 : i32
      %dma_wait3A_54 = tpu.memref_slice %arg3[%arg0, %arg1, %run_scoped3A, %dma_wait3A_52, %dma_wait3A_53] : memref<2x16x159x2x128xi32, #tpu.memory_space<hbm>> -> memref<1x1x1x2x128xi32, #tpu.memory_space<hbm>>
      %dma_wait3A_55 = tpu.memref_squeeze %dma_wait3A_54 : memref<1x1x1x2x128xi32, #tpu.memory_space<hbm>> -> memref<2x128xi32, #tpu.memory_space<hbm>>
      %dma_wait3A_56 = arith.constant 0 : i32
      %dma_wait3A_57 = arith.constant 0 : i32
      %dma_wait3A_58 = tpu.memref_slice %arg3[%arg0, %arg1, %run_scoped3A, %dma_wait3A_56, %dma_wait3A_57] : memref<2x16x159x2x128xi32, #tpu.memory_space<hbm>> -> memref<1x1x1x2x128xi32, #tpu.memory_space<hbm>>
      %dma_wait3A_59 = tpu.memref_squeeze %dma_wait3A_58 : memref<1x1x1x2x128xi32, #tpu.memory_space<hbm>> -> memref<2x128xi32, #tpu.memory_space<hbm>>
      tpu.wait_dma2 semaphore(%run_scoped3A_43 : memref<!tpu.dma_semaphore, #tpu.memory_space<semaphore_mem>>) src(%dma_wait3A_59 : memref<2x128xi32, #tpu.memory_space<hbm>>) dst(%arg6 : memref<2x128xi32, #tpu.memory_space<vmem>>)
      tpu.yield
    }) : () -> ()
    %dma_start3A = arith.constant 0 : i32
    %dma_start3A_3 = arith.constant 0 : i32
    %dma_start3A_4 = tpu.memref_slice %arg6[%dma_start3A, %dma_start3A_3] : memref<2x128xi32, #tpu.memory_space<vmem>> -> memref<1x128xi32, #tpu.memory_space<vmem>>
    %dma_start3A_5 = tpu.memref_squeeze %dma_start3A_4 : memref<1x128xi32, #tpu.memory_space<vmem>> -> memref<128xi32, #tpu.memory_space<vmem>>
    %dma_start3A_6 = arith.constant 0 : i32
    %dma_start3A_7 = arith.constant 0 : i32
    %dma_start3A_8 = tpu.memref_slice %arg2[%dma_start3A_6, %dma_start3A_7] : memref<20480x128xf32, #tpu.memory_space<hbm>> -> memref<20480x128xf32, #tpu.memory_space<hbm>>
    tpu.enqueue_indirect_dma source(%dma_start3A_8 : memref<20480x128xf32, #tpu.memory_space<hbm>>) target(%arg8 : memref<128x128xf32, #tpu.memory_space<vmem>>) offsets(%dma_start3A_5 : memref<128xi32, #tpu.memory_space<vmem>>) semaphore(%arg11 : memref<!tpu.dma_semaphore, #tpu.memory_space<semaphore_mem>>)
    %dma_start3A_9 = arith.constant 1 : i32
    %dma_start3A_10 = arith.constant 0 : i32
    %dma_start3A_11 = arith.constant 0 : i32
    %dma_start3A_12 = tpu.memref_slice %arg3[%arg0, %arg1, %dma_start3A_9, %dma_start3A_10, %dma_start3A_11] : memref<2x16x159x2x128xi32, #tpu.memory_space<hbm>> -> memref<1x1x1x2x128xi32, #tpu.memory_space<hbm>>
    %dma_start3A_13 = tpu.memref_squeeze %dma_start3A_12 : memref<1x1x1x2x128xi32, #tpu.memory_space<hbm>> -> memref<2x128xi32, #tpu.memory_space<hbm>>
    %dma_start3A_14 = arith.constant 0 : i32
    %dma_start3A_15 = arith.constant 0 : i32
    %dma_start3A_16 = tpu.memref_slice %arg3[%arg0, %arg1, %dma_start3A_9, %dma_start3A_14, %dma_start3A_15] : memref<2x16x159x2x128xi32, #tpu.memory_space<hbm>> -> memref<1x1x1x2x128xi32, #tpu.memory_space<hbm>>
    %dma_start3A_17 = tpu.memref_squeeze %dma_start3A_16 : memref<1x1x1x2x128xi32, #tpu.memory_space<hbm>> -> memref<2x128xi32, #tpu.memory_space<hbm>>
    tpu.enqueue_dma source(%dma_start3A_17 : memref<2x128xi32, #tpu.memory_space<hbm>>) target(%arg7 : memref<2x128xi32, #tpu.memory_space<vmem>>) target_semaphore(%arg13 : memref<!tpu.dma_semaphore, #tpu.memory_space<semaphore_mem>>)
    %scan3A = arith.constant 0 : i32
    %scan3A_18 = arith.constant 0 : i32
    %scan3A_19 = arith.constant 157 : i32
    %scan3A_20 = arith.addi %scan3A_18, %scan3A_19 : i32
    %scan3A_21 = arith.constant 1 : i32
    scf.for %scan3A_43 = %scan3A_18 to %scan3A_20 step %scan3A_21  : i32 {
      %rem3A = arith.constant 2 : i32
      %rem3A_44 = arith.remsi %scan3A_43, %rem3A : i32
      %eq3A = arith.constant 0 : i32
      %eq3A_45 = arith.cmpi eq, %rem3A_44, %eq3A : i32
      %not3A = arith.constant true
      %not3A_46 = arith.xori %eq3A_45, %not3A : i1
      %dma_wait3A_47 = arith.constant 0 : i32
      %dma_wait3A_48 = arith.constant 0 : i32
      %dma_wait3A_49 = arith.constant 0 : i32
      %dma_wait3A_50 = tpu.memref_slice %arg3[%arg0, %arg1, %dma_wait3A_47, %dma_wait3A_48, %dma_wait3A_49] : memref<2x16x159x2x128xi32, #tpu.memory_space<hbm>> -> memref<1x1x1x2x128xi32, #tpu.memory_space<hbm>>
      %dma_wait3A_51 = tpu.memref_squeeze %dma_wait3A_50 : memref<1x1x1x2x128xi32, #tpu.memory_space<hbm>> -> memref<2x128xi32, #tpu.memory_space<hbm>>
      %dma_wait3A_52 = arith.constant 0 : i32
      %dma_wait3A_53 = arith.constant 0 : i32
      %dma_wait3A_54 = tpu.memref_slice %arg3[%arg0, %arg1, %dma_wait3A_47, %dma_wait3A_52, %dma_wait3A_53] : memref<2x16x159x2x128xi32, #tpu.memory_space<hbm>> -> memref<1x1x1x2x128xi32, #tpu.memory_space<hbm>>
      %dma_wait3A_55 = tpu.memref_squeeze %dma_wait3A_54 : memref<1x1x1x2x128xi32, #tpu.memory_space<hbm>> -> memref<2x128xi32, #tpu.memory_space<hbm>>
      tpu.wait_dma2 semaphore(%arg13 : memref<!tpu.dma_semaphore, #tpu.memory_space<semaphore_mem>>) src(%dma_wait3A_55 : memref<2x128xi32, #tpu.memory_space<hbm>>) dst(%arg6 : memref<2x128xi32, #tpu.memory_space<vmem>>)
      %convert_element_type3A = arith.extui %eq3A_45 : i1 to i32
      %cond3A = arith.constant 0 : i32
      %cond3A_56 = arith.cmpi ne, %convert_element_type3A, %cond3A : i32
      scf.if %cond3A_56 {
        %dma_wait3A_60 = arith.constant 0 : i32
        %dma_wait3A_61 = arith.constant 0 : i32
        %dma_wait3A_62 = tpu.memref_slice %arg6[%dma_wait3A_60, %dma_wait3A_61] : memref<2x128xi32, #tpu.memory_space<vmem>> -> memref<1x128xi32, #tpu.memory_space<vmem>>
        %dma_wait3A_63 = tpu.memref_squeeze %dma_wait3A_62 : memref<1x128xi32, #tpu.memory_space<vmem>> -> memref<128xi32, #tpu.memory_space<vmem>>
        %dma_wait3A_64 = arith.constant 0 : i32
        %dma_wait3A_65 = arith.constant 0 : i32
        %dma_wait3A_66 = tpu.memref_slice %arg2[%dma_wait3A_64, %dma_wait3A_65] : memref<20480x128xf32, #tpu.memory_space<hbm>> -> memref<20480x128xf32, #tpu.memory_space<hbm>>
        tpu.wait_indirect_dma semaphore(%arg11 : memref<!tpu.dma_semaphore, #tpu.memory_space<semaphore_mem>>) src(%dma_wait3A_66 : memref<20480x128xf32, #tpu.memory_space<hbm>>) dst(%arg8 : memref<128x128xf32, #tpu.memory_space<vmem>>)
        %dma_start3A_67 = arith.constant 0 : i32
        %dma_start3A_68 = arith.constant 0 : i32
        %dma_start3A_69 = tpu.memref_slice %arg7[%dma_start3A_67, %dma_start3A_68] : memref<2x128xi32, #tpu.memory_space<vmem>> -> memref<1x128xi32, #tpu.memory_space<vmem>>
        %dma_start3A_70 = tpu.memref_squeeze %dma_start3A_69 : memref<1x128xi32, #tpu.memory_space<vmem>> -> memref<128xi32, #tpu.memory_space<vmem>>
        %dma_start3A_71 = arith.constant 0 : i32
        %dma_start3A_72 = arith.constant 0 : i32
        %dma_start3A_73 = tpu.memref_slice %arg2[%dma_start3A_71, %dma_start3A_72] : memref<20480x128xf32, #tpu.memory_space<hbm>> -> memref<20480x128xf32, #tpu.memory_space<hbm>>
        tpu.enqueue_indirect_dma source(%dma_start3A_73 : memref<20480x128xf32, #tpu.memory_space<hbm>>) target(%arg9 : memref<128x128xf32, #tpu.memory_space<vmem>>) offsets(%dma_start3A_70 : memref<128xi32, #tpu.memory_space<vmem>>) semaphore(%arg12 : memref<!tpu.dma_semaphore, #tpu.memory_space<semaphore_mem>>)
        %run_scoped3A_74 = arith.constant 1 : i32
        "tpu.region"() ({
          %run_scoped3A_84 = tpu.sem_alloc : memref<!tpu.dma_semaphore, #tpu.memory_space<semaphore_mem>>
          %dma_start3A_85 = arith.constant 0 : i32
          %dma_start3A_86 = tpu.memref_slice %arg6[%run_scoped3A_74, %dma_start3A_85] : memref<2x128xi32, #tpu.memory_space<vmem>> -> memref<1x128xi32, #tpu.memory_space<vmem>>
          %dma_start3A_87 = tpu.memref_squeeze %dma_start3A_86 : memref<1x128xi32, #tpu.memory_space<vmem>> -> memref<128xi32, #tpu.memory_space<vmem>>
          %dma_start3A_88 = arith.constant 0 : i32
          %dma_start3A_89 = arith.constant 0 : i32
          %dma_start3A_90 = tpu.memref_slice %arg10[%dma_start3A_88, %dma_start3A_89] : memref<10240x128xf32, #tpu.memory_space<vmem_shared>> -> memref<10240x128xf32, #tpu.memory_space<vmem_shared>>
          tpu.enqueue_indirect_dma source(%arg8 : memref<128x128xf32, #tpu.memory_space<vmem>>) target(%dma_start3A_90 : memref<10240x128xf32, #tpu.memory_space<vmem_shared>>) offsets(%dma_start3A_87 : memref<128xi32, #tpu.memory_space<vmem>>) semaphore(%run_scoped3A_84 : memref<!tpu.dma_semaphore, #tpu.memory_space<semaphore_mem>>) {add = true}
          %dma_wait3A_91 = arith.constant 0 : i32
          %dma_wait3A_92 = tpu.memref_slice %arg6[%run_scoped3A_74, %dma_wait3A_91] : memref<2x128xi32, #tpu.memory_space<vmem>> -> memref<1x128xi32, #tpu.memory_space<vmem>>
          %dma_wait3A_93 = tpu.memref_squeeze %dma_wait3A_92 : memref<1x128xi32, #tpu.memory_space<vmem>> -> memref<128xi32, #tpu.memory_space<vmem>>
          %dma_wait3A_94 = arith.constant 0 : i32
          %dma_wait3A_95 = arith.constant 0 : i32
          %dma_wait3A_96 = tpu.memref_slice %arg10[%dma_wait3A_94, %dma_wait3A_95] : memref<10240x128xf32, #tpu.memory_space<vmem_shared>> -> memref<10240x128xf32, #tpu.memory_space<vmem_shared>>
          tpu.wait_indirect_dma semaphore(%run_scoped3A_84 : memref<!tpu.dma_semaphore, #tpu.memory_space<semaphore_mem>>) src(%arg8 : memref<128x128xf32, #tpu.memory_space<vmem>>) dst(%dma_wait3A_96 : memref<10240x128xf32, #tpu.memory_space<vmem_shared>>)
          tpu.yield
        }) : () -> ()
        %add3A = arith.constant 2 : i32
        %add3A_75 = arith.addi %scan3A_43, %add3A : i32
        %dma_start3A_76 = arith.constant 0 : i32
        %dma_start3A_77 = arith.constant 0 : i32
        %dma_start3A_78 = tpu.memref_slice %arg3[%arg0, %arg1, %add3A_75, %dma_start3A_76, %dma_start3A_77] : memref<2x16x159x2x128xi32, #tpu.memory_space<hbm>> -> memref<1x1x1x2x128xi32, #tpu.memory_space<hbm>>
        %dma_start3A_79 = tpu.memref_squeeze %dma_start3A_78 : memref<1x1x1x2x128xi32, #tpu.memory_space<hbm>> -> memref<2x128xi32, #tpu.memory_space<hbm>>
        %dma_start3A_80 = arith.constant 0 : i32
        %dma_start3A_81 = arith.constant 0 : i32
        %dma_start3A_82 = tpu.memref_slice %arg3[%arg0, %arg1, %add3A_75, %dma_start3A_80, %dma_start3A_81] : memref<2x16x159x2x128xi32, #tpu.memory_space<hbm>> -> memref<1x1x1x2x128xi32, #tpu.memory_space<hbm>>
        %dma_start3A_83 = tpu.memref_squeeze %dma_start3A_82 : memref<1x1x1x2x128xi32, #tpu.memory_space<hbm>> -> memref<2x128xi32, #tpu.memory_space<hbm>>
        tpu.enqueue_dma source(%dma_start3A_83 : memref<2x128xi32, #tpu.memory_space<hbm>>) target(%arg6 : memref<2x128xi32, #tpu.memory_space<vmem>>) target_semaphore(%arg13 : memref<!tpu.dma_semaphore, #tpu.memory_space<semaphore_mem>>)
      } else {
      }
      %convert_element_type3A_57 = arith.extui %not3A_46 : i1 to i32
      %cond3A_58 = arith.constant 0 : i32
      %cond3A_59 = arith.cmpi ne, %convert_element_type3A_57, %cond3A_58 : i32
      scf.if %cond3A_59 {
        %dma_wait3A_60 = arith.constant 0 : i32
        %dma_wait3A_61 = arith.constant 0 : i32
        %dma_wait3A_62 = tpu.memref_slice %arg6[%dma_wait3A_60, %dma_wait3A_61] : memref<2x128xi32, #tpu.memory_space<vmem>> -> memref<1x128xi32, #tpu.memory_space<vmem>>
        %dma_wait3A_63 = tpu.memref_squeeze %dma_wait3A_62 : memref<1x128xi32, #tpu.memory_space<vmem>> -> memref<128xi32, #tpu.memory_space<vmem>>
        %dma_wait3A_64 = arith.constant 0 : i32
        %dma_wait3A_65 = arith.constant 0 : i32
        %dma_wait3A_66 = tpu.memref_slice %arg2[%dma_wait3A_64, %dma_wait3A_65] : memref<20480x128xf32, #tpu.memory_space<hbm>> -> memref<20480x128xf32, #tpu.memory_space<hbm>>
        tpu.wait_indirect_dma semaphore(%arg12 : memref<!tpu.dma_semaphore, #tpu.memory_space<semaphore_mem>>) src(%dma_wait3A_66 : memref<20480x128xf32, #tpu.memory_space<hbm>>) dst(%arg9 : memref<128x128xf32, #tpu.memory_space<vmem>>)
        %dma_start3A_67 = arith.constant 0 : i32
        %dma_start3A_68 = arith.constant 0 : i32
        %dma_start3A_69 = tpu.memref_slice %arg6[%dma_start3A_67, %dma_start3A_68] : memref<2x128xi32, #tpu.memory_space<vmem>> -> memref<1x128xi32, #tpu.memory_space<vmem>>
        %dma_start3A_70 = tpu.memref_squeeze %dma_start3A_69 : memref<1x128xi32, #tpu.memory_space<vmem>> -> memref<128xi32, #tpu.memory_space<vmem>>
        %dma_start3A_71 = arith.constant 0 : i32
        %dma_start3A_72 = arith.constant 0 : i32
        %dma_start3A_73 = tpu.memref_slice %arg2[%dma_start3A_71, %dma_start3A_72] : memref<20480x128xf32, #tpu.memory_space<hbm>> -> memref<20480x128xf32, #tpu.memory_space<hbm>>
        tpu.enqueue_indirect_dma source(%dma_start3A_73 : memref<20480x128xf32, #tpu.memory_space<hbm>>) target(%arg8 : memref<128x128xf32, #tpu.memory_space<vmem>>) offsets(%dma_start3A_70 : memref<128xi32, #tpu.memory_space<vmem>>) semaphore(%arg11 : memref<!tpu.dma_semaphore, #tpu.memory_space<semaphore_mem>>)
        %run_scoped3A_74 = arith.constant 1 : i32
        "tpu.region"() ({
          %run_scoped3A_84 = tpu.sem_alloc : memref<!tpu.dma_semaphore, #tpu.memory_space<semaphore_mem>>
          %dma_start3A_85 = arith.constant 0 : i32
          %dma_start3A_86 = tpu.memref_slice %arg7[%run_scoped3A_74, %dma_start3A_85] : memref<2x128xi32, #tpu.memory_space<vmem>> -> memref<1x128xi32, #tpu.memory_space<vmem>>
          %dma_start3A_87 = tpu.memref_squeeze %dma_start3A_86 : memref<1x128xi32, #tpu.memory_space<vmem>> -> memref<128xi32, #tpu.memory_space<vmem>>
          %dma_start3A_88 = arith.constant 0 : i32
          %dma_start3A_89 = arith.constant 0 : i32
          %dma_start3A_90 = tpu.memref_slice %arg10[%dma_start3A_88, %dma_start3A_89] : memref<10240x128xf32, #tpu.memory_space<vmem_shared>> -> memref<10240x128xf32, #tpu.memory_space<vmem_shared>>
          tpu.enqueue_indirect_dma source(%arg9 : memref<128x128xf32, #tpu.memory_space<vmem>>) target(%dma_start3A_90 : memref<10240x128xf32, #tpu.memory_space<vmem_shared>>) offsets(%dma_start3A_87 : memref<128xi32, #tpu.memory_space<vmem>>) semaphore(%run_scoped3A_84 : memref<!tpu.dma_semaphore, #tpu.memory_space<semaphore_mem>>) {add = true}
          %dma_wait3A_91 = arith.constant 0 : i32
          %dma_wait3A_92 = tpu.memref_slice %arg7[%run_scoped3A_74, %dma_wait3A_91] : memref<2x128xi32, #tpu.memory_space<vmem>> -> memref<1x128xi32, #tpu.memory_space<vmem>>
          %dma_wait3A_93 = tpu.memref_squeeze %dma_wait3A_92 : memref<1x128xi32, #tpu.memory_space<vmem>> -> memref<128xi32, #tpu.memory_space<vmem>>
          %dma_wait3A_94 = arith.constant 0 : i32
          %dma_wait3A_95 = arith.constant 0 : i32
          %dma_wait3A_96 = tpu.memref_slice %arg10[%dma_wait3A_94, %dma_wait3A_95] : memref<10240x128xf32, #tpu.memory_space<vmem_shared>> -> memref<10240x128xf32, #tpu.memory_space<vmem_shared>>
          tpu.wait_indirect_dma semaphore(%run_scoped3A_84 : memref<!tpu.dma_semaphore, #tpu.memory_space<semaphore_mem>>) src(%arg9 : memref<128x128xf32, #tpu.memory_space<vmem>>) dst(%dma_wait3A_96 : memref<10240x128xf32, #tpu.memory_space<vmem_shared>>)
          tpu.yield
        }) : () -> ()
        %add3A = arith.constant 2 : i32
        %add3A_75 = arith.addi %scan3A_43, %add3A : i32
        %dma_start3A_76 = arith.constant 0 : i32
        %dma_start3A_77 = arith.constant 0 : i32
        %dma_start3A_78 = tpu.memref_slice %arg3[%arg0, %arg1, %add3A_75, %dma_start3A_76, %dma_start3A_77] : memref<2x16x159x2x128xi32, #tpu.memory_space<hbm>> -> memref<1x1x1x2x128xi32, #tpu.memory_space<hbm>>
        %dma_start3A_79 = tpu.memref_squeeze %dma_start3A_78 : memref<1x1x1x2x128xi32, #tpu.memory_space<hbm>> -> memref<2x128xi32, #tpu.memory_space<hbm>>
        %dma_start3A_80 = arith.constant 0 : i32
        %dma_start3A_81 = arith.constant 0 : i32
        %dma_start3A_82 = tpu.memref_slice %arg3[%arg0, %arg1, %add3A_75, %dma_start3A_80, %dma_start3A_81] : memref<2x16x159x2x128xi32, #tpu.memory_space<hbm>> -> memref<1x1x1x2x128xi32, #tpu.memory_space<hbm>>
        %dma_start3A_83 = tpu.memref_squeeze %dma_start3A_82 : memref<1x1x1x2x128xi32, #tpu.memory_space<hbm>> -> memref<2x128xi32, #tpu.memory_space<hbm>>
        tpu.enqueue_dma source(%dma_start3A_83 : memref<2x128xi32, #tpu.memory_space<hbm>>) target(%arg7 : memref<2x128xi32, #tpu.memory_space<vmem>>) target_semaphore(%arg13 : memref<!tpu.dma_semaphore, #tpu.memory_space<semaphore_mem>>)
      } else {
      }
    }
    %scan3A_22 = arith.constant 157 : i32
    %dma_wait3A = arith.constant 0 : i32
    %dma_wait3A_23 = arith.constant 0 : i32
    %dma_wait3A_24 = tpu.memref_slice %arg6[%dma_wait3A, %dma_wait3A_23] : memref<2x128xi32, #tpu.memory_space<vmem>> -> memref<1x128xi32, #tpu.memory_space<vmem>>
    %dma_wait3A_25 = tpu.memref_squeeze %dma_wait3A_24 : memref<1x128xi32, #tpu.memory_space<vmem>> -> memref<128xi32, #tpu.memory_space<vmem>>
    %dma_wait3A_26 = arith.constant 0 : i32
    %dma_wait3A_27 = arith.constant 0 : i32
    %dma_wait3A_28 = tpu.memref_slice %arg2[%dma_wait3A_26, %dma_wait3A_27] : memref<20480x128xf32, #tpu.memory_space<hbm>> -> memref<20480x128xf32, #tpu.memory_space<hbm>>
    tpu.wait_indirect_dma semaphore(%arg12 : memref<!tpu.dma_semaphore, #tpu.memory_space<semaphore_mem>>) src(%dma_wait3A_28 : memref<20480x128xf32, #tpu.memory_space<hbm>>) dst(%arg9 : memref<128x128xf32, #tpu.memory_space<vmem>>)
    %dma_wait3A_29 = arith.constant 0 : i32
    %dma_wait3A_30 = arith.constant 0 : i32
    %dma_wait3A_31 = arith.constant 0 : i32
    %dma_wait3A_32 = tpu.memref_slice %arg3[%arg0, %arg1, %dma_wait3A_29, %dma_wait3A_30, %dma_wait3A_31] : memref<2x16x159x2x128xi32, #tpu.memory_space<hbm>> -> memref<1x1x1x2x128xi32, #tpu.memory_space<hbm>>
    %dma_wait3A_33 = tpu.memref_squeeze %dma_wait3A_32 : memref<1x1x1x2x128xi32, #tpu.memory_space<hbm>> -> memref<2x128xi32, #tpu.memory_space<hbm>>
    %dma_wait3A_34 = arith.constant 0 : i32
    %dma_wait3A_35 = arith.constant 0 : i32
    %dma_wait3A_36 = tpu.memref_slice %arg3[%arg0, %arg1, %dma_wait3A_29, %dma_wait3A_34, %dma_wait3A_35] : memref<2x16x159x2x128xi32, #tpu.memory_space<hbm>> -> memref<1x1x1x2x128xi32, #tpu.memory_space<hbm>>
    %dma_wait3A_37 = tpu.memref_squeeze %dma_wait3A_36 : memref<1x1x1x2x128xi32, #tpu.memory_space<hbm>> -> memref<2x128xi32, #tpu.memory_space<hbm>>
    tpu.wait_dma2 semaphore(%arg13 : memref<!tpu.dma_semaphore, #tpu.memory_space<semaphore_mem>>) src(%dma_wait3A_37 : memref<2x128xi32, #tpu.memory_space<hbm>>) dst(%arg6 : memref<2x128xi32, #tpu.memory_space<vmem>>)
    %barrier3A_38 = arith.constant 0 : index
    tpu.barrier barrier_id(%barrier3A_38)
    %mul3A_39 = arith.constant 640 : i32
    %mul3A_40 = arith.muli %arg1, %mul3A_39 : i32
    %mul3A_41 = arith.constant 640 : i32
    %mul3A_42 = arith.muli %arg1, %mul3A_41 : i32
    "tpu.region"() ({
      %run_scoped3A_43 = tpu.sem_alloc : memref<!tpu.dma_semaphore, #tpu.memory_space<semaphore_mem>>
      %dma_start3A_44 = arith.constant 0 : i32
      %dma_start3A_45 = tpu.memref_slice %arg5[%arg0, %mul3A_42, %dma_start3A_44] : memref<2x10240x128xf32, #tpu.memory_space<hbm>> -> memref<1x640x128xf32, #tpu.memory_space<hbm>>
      %dma_start3A_46 = tpu.memref_squeeze %dma_start3A_45 : memref<1x640x128xf32, #tpu.memory_space<hbm>> -> memref<640x128xf32, #tpu.memory_space<hbm>>
      %dma_start3A_47 = arith.constant 0 : i32
      %dma_start3A_48 = tpu.memref_slice %arg10[%mul3A_40, %dma_start3A_47] : memref<10240x128xf32, #tpu.memory_space<vmem_shared>> -> memref<640x128xf32, #tpu.memory_space<vmem_shared>>
      tpu.enqueue_dma source(%dma_start3A_48 : memref<640x128xf32, #tpu.memory_space<vmem_shared>>) target(%dma_start3A_46 : memref<640x128xf32, #tpu.memory_space<hbm>>) target_semaphore(%run_scoped3A_43 : memref<!tpu.dma_semaphore, #tpu.memory_space<semaphore_mem>>)
      %dma_wait3A_49 = arith.constant 0 : i32
      %dma_wait3A_50 = tpu.memref_slice %arg5[%arg0, %mul3A_42, %dma_wait3A_49] : memref<2x10240x128xf32, #tpu.memory_space<hbm>> -> memref<1x640x128xf32, #tpu.memory_space<hbm>>
      %dma_wait3A_51 = tpu.memref_squeeze %dma_wait3A_50 : memref<1x640x128xf32, #tpu.memory_space<hbm>> -> memref<640x128xf32, #tpu.memory_space<hbm>>
      %dma_wait3A_52 = arith.constant 0 : i32
      %dma_wait3A_53 = tpu.memref_slice %arg10[%mul3A_40, %dma_wait3A_52] : memref<10240x128xf32, #tpu.memory_space<vmem_shared>> -> memref<640x128xf32, #tpu.memory_space<vmem_shared>>
      tpu.wait_dma2 semaphore(%run_scoped3A_43 : memref<!tpu.dma_semaphore, #tpu.memory_space<semaphore_mem>>) src(%dma_wait3A_53 : memref<640x128xf32, #tpu.memory_space<vmem_shared>>) dst(%dma_wait3A_51 : memref<640x128xf32, #tpu.memory_space<hbm>>)
      tpu.yield
    }) : () -> ()
    return
  }
}

module attributes {stable_mosaic.version = 14 : i64} {
  func.func @_first_body(%arg0: i32, %arg1: memref<2048x8xf32, #tpu.memory_space<vmem>>, %arg2: memref<2048x1xf32, #tpu.memory_space<vmem>>, %arg3: memref<2048x1xf32, #tpu.memory_space<vmem>>, %arg4: memref<8x128xf32, #tpu.memory_space<vmem>>, %arg5: memref<2048x128xf32, #tpu.memory_space<vmem>>) attributes {dimension_semantics = [#tpu.dimension_semantics<arbitrary>], iteration_bounds = array<i64: 10>, scalar_prefetch = 0 : i64, scratch_operands = 0 : i64, tpu.core_type = #tpu.core_type<tc>, window_params = [{transform_indices = @transform_0, window_bounds = array<i64: 2048, 8>}, {transform_indices = @transform_1, window_bounds = array<i64: 2048, 1>}, {transform_indices = @transform_2, window_bounds = array<i64: 2048, 1>}, {pipeline_mode = #tpu.pipeline_mode<synchronous>, transform_indices = @transform_3, window_bounds = array<i64: 8, 128>}, {transform_indices = @transform_4, window_bounds = array<i64: 2048, 128>}]} {
    %get3A = arith.constant 0 : index
    %get3A_0 = arith.constant 0 : index
    %get3A_1 = vector.load %arg2[%get3A, %get3A_0] : memref<2048x1xf32, #tpu.memory_space<vmem>>, vector<2048x1xf32>
    %add3A = arith.constant 1.000000e+00 : f32
    %add3A_2 = vector.broadcast %add3A : f32 to vector<2048x1xf32>
    %add3A_3 = arith.addf %get3A_1, %add3A_2 : vector<2048x1xf32>
    %rsqrt3A = math.rsqrt %add3A_3 : vector<2048x1xf32>
    %get3A_4 = arith.constant 0 : index
    %get3A_5 = arith.constant 0 : index
    %get3A_6 = vector.load %arg1[%get3A_4, %get3A_5] : memref<2048x8xf32, #tpu.memory_space<vmem>>, vector<2048x8xf32>
    %get3A_7 = arith.constant 0 : index
    %get3A_8 = arith.constant 0 : index
    %get3A_9 = vector.load %arg4[%get3A_7, %get3A_8] : memref<8x128xf32, #tpu.memory_space<vmem>>, vector<8x128xf32>
    %dot_general3A = arith.constant dense<0.000000e+00> : vector<2048x128xf32>
    %dot_general3A_10 = tpu.matmul %get3A_6, %get3A_9, %dot_general3A {dimension_numbers = #tpu.dot_dimension_numbers<[1], [0], [0], [1], [0, 0, 1, 1], [], []>, transpose_lhs_hint = false} : vector<2048x8xf32>, vector<8x128xf32>, vector<2048x128xf32> -> vector<2048x128xf32>
    %mul3A = vector.broadcast %rsqrt3A : vector<2048x1xf32> to vector<2048x128xf32>
    %mul3A_11 = arith.mulf %dot_general3A_10, %mul3A : vector<2048x128xf32>
    %get3A_12 = arith.constant 0 : index
    %get3A_13 = arith.constant 0 : index
    %get3A_14 = vector.load %arg3[%get3A_12, %get3A_13] : memref<2048x1xf32, #tpu.memory_space<vmem>>, vector<2048x1xf32>
    %mul3A_15 = vector.broadcast %get3A_14 : vector<2048x1xf32> to vector<2048x128xf32>
    %mul3A_16 = arith.mulf %mul3A_11, %mul3A_15 : vector<2048x128xf32>
    %swap3A = arith.constant 0 : index
    %swap3A_17 = arith.constant 0 : index
    %swap3A_18 = vector.load %arg5[%swap3A, %swap3A_17] : memref<2048x128xf32, #tpu.memory_space<vmem>>, vector<2048x128xf32>
    tpu.vector_store %arg5[%swap3A, %swap3A_17], %mul3A_16 {strides = array<i32>} : memref<2048x128xf32, #tpu.memory_space<vmem>>, vector<2048x128xf32>,
    return
  }
  func.func @transform_0(%arg0: i32) -> (i32, i32) {
    %c0_i32 = arith.constant 0 : i32
    %c0_i32_0 = arith.constant 0 : i32
    return %arg0, %c0_i32 : i32, i32
  }
  func.func @transform_1(%arg0: i32) -> (i32, i32) {
    %c0_i32 = arith.constant 0 : i32
    %c0_i32_0 = arith.constant 0 : i32
    return %arg0, %c0_i32 : i32, i32
  }
  func.func @transform_2(%arg0: i32) -> (i32, i32) {
    %c0_i32 = arith.constant 0 : i32
    %c0_i32_0 = arith.constant 0 : i32
    return %arg0, %c0_i32 : i32, i32
  }
  func.func @transform_3(%arg0: i32) -> (i32, i32) {
    %c0_i32 = arith.constant 0 : i32
    %c0_i32_0 = arith.constant 0 : i32
    %c0_i32_1 = arith.constant 0 : i32
    return %c0_i32, %c0_i32_0 : i32, i32
  }
  func.func @transform_4(%arg0: i32) -> (i32, i32) {
    %c0_i32 = arith.constant 0 : i32
    %c0_i32_0 = arith.constant 0 : i32
    return %arg0, %c0_i32 : i32, i32
  }
}

module attributes {stable_mosaic.version = 14 : i64} {
  func.func @_layer_body(%arg0: i32, %arg1: memref<2048x128xf32, #tpu.memory_space<vmem>>, %arg2: memref<2048x128xf32, #tpu.memory_space<vmem>>, %arg3: memref<2048x1xf32, #tpu.memory_space<vmem>>, %arg4: memref<2048x1xf32, #tpu.memory_space<vmem>>, %arg5: memref<128x128xf32, #tpu.memory_space<vmem>>, %arg6: memref<1x128xf32, #tpu.memory_space<vmem>>, %arg7: memref<1x128xf32, #tpu.memory_space<vmem>>, %arg8: memref<1x128xf32, #tpu.memory_space<vmem>>, %arg9: memref<2048x128xf32, #tpu.memory_space<vmem>>) attributes {dimension_semantics = [#tpu.dimension_semantics<arbitrary>], iteration_bounds = array<i64: 10>, scalar_prefetch = 0 : i64, scratch_operands = 0 : i64, tpu.core_type = #tpu.core_type<tc>, window_params = [{transform_indices = @transform_0, window_bounds = array<i64: 2048, 128>}, {transform_indices = @transform_1, window_bounds = array<i64: 2048, 128>}, {transform_indices = @transform_2, window_bounds = array<i64: 2048, 1>}, {transform_indices = @transform_3, window_bounds = array<i64: 2048, 1>}, {pipeline_mode = #tpu.pipeline_mode<synchronous>, transform_indices = @transform_4, window_bounds = array<i64: 128, 128>}, {pipeline_mode = #tpu.pipeline_mode<synchronous>, transform_indices = @transform_5, window_bounds = array<i64: 1, 128>}, {pipeline_mode = #tpu.pipeline_mode<synchronous>, transform_indices = @transform_6, window_bounds = array<i64: 1, 128>}, {pipeline_mode = #tpu.pipeline_mode<synchronous>, transform_indices = @transform_7, window_bounds = array<i64: 1, 128>}, {transform_indices = @transform_8, window_bounds = array<i64: 2048, 128>}]} {
    %get3A = arith.constant 0 : index
    %get3A_0 = arith.constant 0 : index
    %get3A_1 = vector.load %arg3[%get3A, %get3A_0] : memref<2048x1xf32, #tpu.memory_space<vmem>>, vector<2048x1xf32>
    %add3A = arith.constant 1.000000e+00 : f32
    %add3A_2 = vector.broadcast %add3A : f32 to vector<2048x1xf32>
    %add3A_3 = arith.addf %get3A_1, %add3A_2 : vector<2048x1xf32>
    %rsqrt3A = math.rsqrt %add3A_3 : vector<2048x1xf32>
    %get3A_4 = arith.constant 0 : index
    %get3A_5 = arith.constant 0 : index
    %get3A_6 = vector.load %arg1[%get3A_4, %get3A_5] : memref<2048x128xf32, #tpu.memory_space<vmem>>, vector<2048x128xf32>
    %get3A_7 = arith.constant 0 : index
    %get3A_8 = arith.constant 0 : index
    %get3A_9 = vector.load %arg2[%get3A_7, %get3A_8] : memref<2048x128xf32, #tpu.memory_space<vmem>>, vector<2048x128xf32>
    %add3A_10 = arith.addf %get3A_6, %get3A_9 : vector<2048x128xf32>
    %mul3A = vector.broadcast %rsqrt3A : vector<2048x1xf32> to vector<2048x128xf32>
    %mul3A_11 = arith.mulf %mul3A, %add3A_10 : vector<2048x128xf32>
    %get3A_12 = arith.constant 0 : index
    %get3A_13 = arith.constant 0 : index
    %get3A_14 = vector.load %arg6[%get3A_12, %get3A_13] : memref<1x128xf32, #tpu.memory_space<vmem>>, vector<1x128xf32>
    %add3A_15 = vector.broadcast %get3A_14 : vector<1x128xf32> to vector<2048x128xf32>
    %add3A_16 = arith.addf %mul3A_11, %add3A_15 : vector<2048x128xf32>
    %get3A_17 = arith.constant 0 : index
    %get3A_18 = arith.constant 0 : index
    %get3A_19 = vector.load %arg7[%get3A_17, %get3A_18] : memref<1x128xf32, #tpu.memory_space<vmem>>, vector<1x128xf32>
    %rsqrt3A_20 = arith.constant 1.000010e+00 : f32
    %rsqrt3A_21 = math.rsqrt %rsqrt3A_20 : f32
    %mul3A_22 = vector.broadcast %rsqrt3A_21 : f32 to vector<1x128xf32>
    %mul3A_23 = arith.mulf %get3A_19, %mul3A_22 : vector<1x128xf32>
    %mul3A_24 = vector.broadcast %mul3A_23 : vector<1x128xf32> to vector<2048x128xf32>
    %mul3A_25 = arith.mulf %add3A_16, %mul3A_24 : vector<2048x128xf32>
    %get3A_26 = arith.constant 0 : index
    %get3A_27 = arith.constant 0 : index
    %get3A_28 = vector.load %arg8[%get3A_26, %get3A_27] : memref<1x128xf32, #tpu.memory_space<vmem>>, vector<1x128xf32>
    %add3A_29 = vector.broadcast %get3A_28 : vector<1x128xf32> to vector<2048x128xf32>
    %add3A_30 = arith.addf %mul3A_25, %add3A_29 : vector<2048x128xf32>
    %max3A = arith.constant 0.000000e+00 : f32
    %max3A_31 = vector.broadcast %max3A : f32 to vector<2048x128xf32>
    %max3A_32 = arith.maximumf %add3A_30, %max3A_31 : vector<2048x128xf32>
    %get3A_33 = arith.constant 0 : index
    %get3A_34 = arith.constant 0 : index
    %get3A_35 = vector.load %arg5[%get3A_33, %get3A_34] : memref<128x128xf32, #tpu.memory_space<vmem>>, vector<128x128xf32>
    %dot_general3A = arith.constant dense<0.000000e+00> : vector<2048x128xf32>
    %dot_general3A_36 = tpu.matmul %max3A_32, %get3A_35, %dot_general3A {dimension_numbers = #tpu.dot_dimension_numbers<[1], [0], [0], [1], [0, 0, 1, 1], [], []>, transpose_lhs_hint = false} : vector<2048x128xf32>, vector<128x128xf32>, vector<2048x128xf32> -> vector<2048x128xf32>
    %mul3A_37 = vector.broadcast %rsqrt3A : vector<2048x1xf32> to vector<2048x128xf32>
    %mul3A_38 = arith.mulf %dot_general3A_36, %mul3A_37 : vector<2048x128xf32>
    %get3A_39 = arith.constant 0 : index
    %get3A_40 = arith.constant 0 : index
    %get3A_41 = vector.load %arg4[%get3A_39, %get3A_40] : memref<2048x1xf32, #tpu.memory_space<vmem>>, vector<2048x1xf32>
    %mul3A_42 = vector.broadcast %get3A_41 : vector<2048x1xf32> to vector<2048x128xf32>
    %mul3A_43 = arith.mulf %mul3A_38, %mul3A_42 : vector<2048x128xf32>
    %swap3A = arith.constant 0 : index
    %swap3A_44 = arith.constant 0 : index
    %swap3A_45 = vector.load %arg9[%swap3A, %swap3A_44] : memref<2048x128xf32, #tpu.memory_space<vmem>>, vector<2048x128xf32>
    tpu.vector_store %arg9[%swap3A, %swap3A_44], %mul3A_43 {strides = array<i32>} : memref<2048x128xf32, #tpu.memory_space<vmem>>, vector<2048x128xf32>,
    return
  }
  func.func @transform_0(%arg0: i32) -> (i32, i32) {
    %c0_i32 = arith.constant 0 : i32
    %c0_i32_0 = arith.constant 0 : i32
    return %arg0, %c0_i32 : i32, i32
  }
  func.func @transform_1(%arg0: i32) -> (i32, i32) {
    %c0_i32 = arith.constant 0 : i32
    %c0_i32_0 = arith.constant 0 : i32
    return %arg0, %c0_i32 : i32, i32
  }
  func.func @transform_2(%arg0: i32) -> (i32, i32) {
    %c0_i32 = arith.constant 0 : i32
    %c0_i32_0 = arith.constant 0 : i32
    return %arg0, %c0_i32 : i32, i32
  }
  func.func @transform_3(%arg0: i32) -> (i32, i32) {
    %c0_i32 = arith.constant 0 : i32
    %c0_i32_0 = arith.constant 0 : i32
    return %arg0, %c0_i32 : i32, i32
  }
  func.func @transform_4(%arg0: i32) -> (i32, i32) {
    %c0_i32 = arith.constant 0 : i32
    %c0_i32_0 = arith.constant 0 : i32
    %c0_i32_1 = arith.constant 0 : i32
    return %c0_i32, %c0_i32_0 : i32, i32
  }
  func.func @transform_5(%arg0: i32) -> (i32, i32) {
    %c0_i32 = arith.constant 0 : i32
    %c0_i32_0 = arith.constant 0 : i32
    %c0_i32_1 = arith.constant 0 : i32
    return %c0_i32, %c0_i32_0 : i32, i32
  }
  func.func @transform_6(%arg0: i32) -> (i32, i32) {
    %c0_i32 = arith.constant 0 : i32
    %c0_i32_0 = arith.constant 0 : i32
    %c0_i32_1 = arith.constant 0 : i32
    return %c0_i32, %c0_i32_0 : i32, i32
  }
  func.func @transform_7(%arg0: i32) -> (i32, i32) {
    %c0_i32 = arith.constant 0 : i32
    %c0_i32_0 = arith.constant 0 : i32
    %c0_i32_1 = arith.constant 0 : i32
    return %c0_i32, %c0_i32_0 : i32, i32
  }
  func.func @transform_8(%arg0: i32) -> (i32, i32) {
    %c0_i32 = arith.constant 0 : i32
    %c0_i32_0 = arith.constant 0 : i32
    return %arg0, %c0_i32 : i32, i32
  }
}

module attributes {stable_mosaic.version = 14 : i64} {
  func.func @_head_body(%arg0: i32, %arg1: memref<2048x128xf32, #tpu.memory_space<vmem>>, %arg2: memref<2048x128xf32, #tpu.memory_space<vmem>>, %arg3: memref<2048x1xf32, #tpu.memory_space<vmem>>, %arg4: memref<2048x1xi32, #tpu.memory_space<vmem>>, %arg5: memref<1x128xf32, #tpu.memory_space<vmem>>, %arg6: memref<1x128xf32, #tpu.memory_space<vmem>>, %arg7: memref<1x128xf32, #tpu.memory_space<vmem>>, %arg8: memref<256x128xf32, #tpu.memory_space<vmem>>, %arg9: memref<1x128xf32, #tpu.memory_space<vmem>>, %arg10: memref<1x128xf32, #tpu.memory_space<vmem>>, %arg11: memref<1x128xf32, #tpu.memory_space<vmem>>, %arg12: memref<128x64xf32, #tpu.memory_space<vmem>>, %arg13: memref<1x64xf32, #tpu.memory_space<vmem>>, %arg14: memref<1x64xf32, #tpu.memory_space<vmem>>, %arg15: memref<1x64xf32, #tpu.memory_space<vmem>>, %arg16: memref<64x128xf32, #tpu.memory_space<vmem>>, %arg17: memref<1x128xf32, #tpu.memory_space<vmem>>, %arg18: memref<256x128xf32, #tpu.memory_space<vmem>>, %arg19: memref<512x128xf32, #tpu.memory_space<vmem>>, %arg20: memref<512x128xf32, #tpu.memory_space<vmem>>) attributes {dimension_semantics = [#tpu.dimension_semantics<arbitrary>], iteration_bounds = array<i64: 10>, scalar_prefetch = 0 : i64, scratch_operands = 2 : i64, tpu.core_type = #tpu.core_type<tc>, window_params = [{transform_indices = @transform_0, window_bounds = array<i64: 2048, 128>}, {transform_indices = @transform_1, window_bounds = array<i64: 2048, 128>}, {transform_indices = @transform_2, window_bounds = array<i64: 2048, 1>}, {transform_indices = @transform_3, window_bounds = array<i64: 2048, 1>}, {pipeline_mode = #tpu.pipeline_mode<synchronous>, transform_indices = @transform_4, window_bounds = array<i64: 1, 128>}, {pipeline_mode = #tpu.pipeline_mode<synchronous>, transform_indices = @transform_5, window_bounds = array<i64: 1, 128>}, {pipeline_mode = #tpu.pipeline_mode<synchronous>, transform_indices = @transform_6, window_bounds = array<i64: 1, 128>}, {pipeline_mode = #tpu.pipeline_mode<synchronous>, transform_indices = @transform_7, window_bounds = array<i64: 256, 128>}, {pipeline_mode = #tpu.pipeline_mode<synchronous>, transform_indices = @transform_8, window_bounds = array<i64: 1, 128>}, {pipeline_mode = #tpu.pipeline_mode<synchronous>, transform_indices = @transform_9, window_bounds = array<i64: 1, 128>}, {pipeline_mode = #tpu.pipeline_mode<synchronous>, transform_indices = @transform_10, window_bounds = array<i64: 1, 128>}, {pipeline_mode = #tpu.pipeline_mode<synchronous>, transform_indices = @transform_11, window_bounds = array<i64: 128, 64>}, {pipeline_mode = #tpu.pipeline_mode<synchronous>, transform_indices = @transform_12, window_bounds = array<i64: 1, 64>}, {pipeline_mode = #tpu.pipeline_mode<synchronous>, transform_indices = @transform_13, window_bounds = array<i64: 1, 64>}, {pipeline_mode = #tpu.pipeline_mode<synchronous>, transform_indices = @transform_14, window_bounds = array<i64: 1, 64>}, {pipeline_mode = #tpu.pipeline_mode<synchronous>, transform_indices = @transform_15, window_bounds = array<i64: 64, 128>}, {pipeline_mode = #tpu.pipeline_mode<synchronous>, transform_indices = @transform_16, window_bounds = array<i64: 1, 128>}, {pipeline_mode = #tpu.pipeline_mode<synchronous>, transform_indices = @transform_17, window_bounds = array<i64: 256, 128>}]} {
    %eq3A = arith.constant 0 : i32
    %eq3A_0 = arith.cmpi eq, %arg0, %eq3A : i32
    %convert_element_type3A = arith.extui %eq3A_0 : i1 to i32
    %cond3A = arith.constant 0 : i32
    %cond3A_1 = arith.cmpi ne, %convert_element_type3A, %cond3A : i32
    scf.if %cond3A_1 {
      %broadcast_in_dim3A_64 = arith.constant 0.000000e+00 : f32
      %broadcast_in_dim3A_65 = vector.broadcast %broadcast_in_dim3A_64 : f32 to vector<512x128xf32>
      %swap3A_66 = arith.constant 0 : index
      %swap3A_67 = arith.constant 0 : index
      %swap3A_68 = vector.load %arg19[%swap3A_66, %swap3A_67] : memref<512x128xf32, #tpu.memory_space<vmem>>, vector<512x128xf32>
      tpu.vector_store %arg19[%swap3A_66, %swap3A_67], %broadcast_in_dim3A_65 {strides = array<i32>} : memref<512x128xf32, #tpu.memory_space<vmem>>, vector<512x128xf32>,
      %broadcast_in_dim3A_69 = arith.constant 0.000000e+00 : f32
      %broadcast_in_dim3A_70 = vector.broadcast %broadcast_in_dim3A_69 : f32 to vector<512x128xf32>
      %swap3A_71 = arith.constant 0 : index
      %swap3A_72 = arith.constant 0 : index
      %swap3A_73 = vector.load %arg20[%swap3A_71, %swap3A_72] : memref<512x128xf32, #tpu.memory_space<vmem>>, vector<512x128xf32>
      tpu.vector_store %arg20[%swap3A_71, %swap3A_72], %broadcast_in_dim3A_70 {strides = array<i32>} : memref<512x128xf32, #tpu.memory_space<vmem>>, vector<512x128xf32>,
    } else {
    }
    %get3A = arith.constant 0 : index
    %get3A_2 = arith.constant 0 : index
    %get3A_3 = vector.load %arg3[%get3A, %get3A_2] : memref<2048x1xf32, #tpu.memory_space<vmem>>, vector<2048x1xf32>
    %add3A = arith.constant 1.000000e+00 : f32
    %add3A_4 = vector.broadcast %add3A : f32 to vector<2048x1xf32>
    %add3A_5 = arith.addf %get3A_3, %add3A_4 : vector<2048x1xf32>
    %rsqrt3A = math.rsqrt %add3A_5 : vector<2048x1xf32>
    %get3A_6 = arith.constant 0 : index
    %get3A_7 = arith.constant 0 : index
    %get3A_8 = vector.load %arg1[%get3A_6, %get3A_7] : memref<2048x128xf32, #tpu.memory_space<vmem>>, vector<2048x128xf32>
    %get3A_9 = arith.constant 0 : index
    %get3A_10 = arith.constant 0 : index
    %get3A_11 = vector.load %arg2[%get3A_9, %get3A_10] : memref<2048x128xf32, #tpu.memory_space<vmem>>, vector<2048x128xf32>
    %add3A_12 = arith.addf %get3A_8, %get3A_11 : vector<2048x128xf32>
    %mul3A = vector.broadcast %rsqrt3A : vector<2048x1xf32> to vector<2048x128xf32>
    %mul3A_13 = arith.mulf %mul3A, %add3A_12 : vector<2048x128xf32>
    %get3A_14 = arith.constant 0 : index
    %get3A_15 = arith.constant 0 : index
    %get3A_16 = vector.load %arg5[%get3A_14, %get3A_15] : memref<1x128xf32, #tpu.memory_space<vmem>>, vector<1x128xf32>
    %add3A_17 = vector.broadcast %get3A_16 : vector<1x128xf32> to vector<2048x128xf32>
    %add3A_18 = arith.addf %mul3A_13, %add3A_17 : vector<2048x128xf32>
    %get3A_19 = arith.constant 0 : index
    %get3A_20 = arith.constant 0 : index
    %get3A_21 = vector.load %arg6[%get3A_19, %get3A_20] : memref<1x128xf32, #tpu.memory_space<vmem>>, vector<1x128xf32>
    %rsqrt3A_22 = arith.constant 1.000010e+00 : f32
    %rsqrt3A_23 = math.rsqrt %rsqrt3A_22 : f32
    %mul3A_24 = vector.broadcast %rsqrt3A_23 : f32 to vector<1x128xf32>
    %mul3A_25 = arith.mulf %get3A_21, %mul3A_24 : vector<1x128xf32>
    %mul3A_26 = vector.broadcast %mul3A_25 : vector<1x128xf32> to vector<2048x128xf32>
    %mul3A_27 = arith.mulf %add3A_18, %mul3A_26 : vector<2048x128xf32>
    %get3A_28 = arith.constant 0 : index
    %get3A_29 = arith.constant 0 : index
    %get3A_30 = vector.load %arg7[%get3A_28, %get3A_29] : memref<1x128xf32, #tpu.memory_space<vmem>>, vector<1x128xf32>
    %add3A_31 = vector.broadcast %get3A_30 : vector<1x128xf32> to vector<2048x128xf32>
    %add3A_32 = arith.addf %mul3A_27, %add3A_31 : vector<2048x128xf32>
    %max3A = arith.constant 0.000000e+00 : f32
    %max3A_33 = vector.broadcast %max3A : f32 to vector<2048x128xf32>
    %max3A_34 = arith.maximumf %add3A_32, %max3A_33 : vector<2048x128xf32>
    %iota3A = tpu.iota {dimensions = array<i32: 1>} : vector<2048x512xi32>
    %get3A_35 = arith.constant 0 : index
    %get3A_36 = arith.constant 0 : index
    %get3A_37 = vector.load %arg4[%get3A_35, %get3A_36] : memref<2048x1xi32, #tpu.memory_space<vmem>>, vector<2048x1xi32>
    %eq3A_38 = vector.broadcast %get3A_37 : vector<2048x1xi32> to vector<2048x512xi32>
    %eq3A_39 = arith.cmpi eq, %eq3A_38, %iota3A : vector<2048x512xi32>
    %convert_element_type3A_40 = arith.extui %eq3A_39 : vector<2048x512xi1> to vector<2048x512xi32>
    %convert_element_type3A_41 = arith.sitofp %convert_element_type3A_40 : vector<2048x512xi32> to vector<2048x512xf32>
    %get3A_42 = arith.constant 0 : index
    %get3A_43 = arith.constant 0 : index
    %get3A_44 = vector.load %arg19[%get3A_42, %get3A_43] : memref<512x128xf32, #tpu.memory_space<vmem>>, vector<512x128xf32>
    %dot_general3A = arith.constant dense<0.000000e+00> : vector<512x128xf32>
    %dot_general3A_45 = tpu.matmul %convert_element_type3A_41, %max3A_34, %dot_general3A {dimension_numbers = #tpu.dot_dimension_numbers<[0], [0], [1], [1], [0, 1, 1, 1], [], []>, transpose_lhs_hint = false} : vector<2048x512xf32>, vector<2048x128xf32>, vector<512x128xf32> -> vector<512x128xf32>
    %add3A_46 = arith.addf %get3A_44, %dot_general3A_45 : vector<512x128xf32>
    %swap3A = arith.constant 0 : index
    %swap3A_47 = arith.constant 0 : index
    %swap3A_48 = vector.load %arg19[%swap3A, %swap3A_47] : memref<512x128xf32, #tpu.memory_space<vmem>>, vector<512x128xf32>
    tpu.vector_store %arg19[%swap3A, %swap3A_47], %add3A_46 {strides = array<i32>} : memref<512x128xf32, #tpu.memory_space<vmem>>, vector<512x128xf32>,
    %get3A_49 = arith.constant 0 : index
    %get3A_50 = arith.constant 0 : index
    %get3A_51 = vector.load %arg20[%get3A_49, %get3A_50] : memref<512x128xf32, #tpu.memory_space<vmem>>, vector<512x128xf32>
    %broadcast_in_dim3A = arith.constant 1.000000e+00 : f32
    %broadcast_in_dim3A_52 = vector.broadcast %broadcast_in_dim3A : f32 to vector<2048x128xf32>
    %dot_general3A_53 = arith.constant dense<0.000000e+00> : vector<512x128xf32>
    %dot_general3A_54 = tpu.matmul %convert_element_type3A_41, %broadcast_in_dim3A_52, %dot_general3A_53 {dimension_numbers = #tpu.dot_dimension_numbers<[0], [0], [1], [1], [0, 1, 1, 1], [], []>, transpose_lhs_hint = false} : vector<2048x512xf32>, vector<2048x128xf32>, vector<512x128xf32> -> vector<512x128xf32>
    %add3A_55 = arith.addf %get3A_51, %dot_general3A_54 : vector<512x128xf32>
    %swap3A_56 = arith.constant 0 : index
    %swap3A_57 = arith.constant 0 : index
    %swap3A_58 = vector.load %arg20[%swap3A_56, %swap3A_57] : memref<512x128xf32, #tpu.memory_space<vmem>>, vector<512x128xf32>
    tpu.vector_store %arg20[%swap3A_56, %swap3A_57], %add3A_55 {strides = array<i32>} : memref<512x128xf32, #tpu.memory_space<vmem>>, vector<512x128xf32>,
    %eq3A_59 = arith.constant 9 : i32
    %eq3A_60 = arith.cmpi eq, %arg0, %eq3A_59 : i32
    %convert_element_type3A_61 = arith.extui %eq3A_60 : i1 to i32
    %cond3A_62 = arith.constant 0 : i32
    %cond3A_63 = arith.cmpi ne, %convert_element_type3A_61, %cond3A_62 : i32
    scf.if %cond3A_63 {
      %get3A_64 = arith.constant 0 : index
      %get3A_65 = arith.constant 0 : index
      %get3A_66 = vector.load %arg19[%get3A_64, %get3A_65] : memref<512x128xf32, #tpu.memory_space<vmem>>, vector<512x128xf32>
      %get3A_67 = arith.constant 0 : index
      %get3A_68 = arith.constant 0 : index
      %get3A_69 = vector.load %arg20[%get3A_67, %get3A_68] : memref<512x128xf32, #tpu.memory_space<vmem>>, vector<512x128xf32>
      %max3A_70 = arith.constant 1.000000e+00 : f32
      %max3A_71 = vector.broadcast %max3A_70 : f32 to vector<512x128xf32>
      %max3A_72 = arith.maximumf %get3A_69, %max3A_71 : vector<512x128xf32>
      %div3A = arith.divf %get3A_66, %max3A_72 : vector<512x128xf32>
      %slice3A = vector.extract_strided_slice %div3A {offsets = [0, 0], sizes = [256, 128], strides = [1, 1]} : vector<512x128xf32> to vector<256x128xf32>
      %slice3A_73 = vector.extract_strided_slice %div3A {offsets = [256, 0], sizes = [256, 128], strides = [1, 1]} : vector<512x128xf32> to vector<256x128xf32>
      %concatenate3A = tpu.concatenate %slice3A, %slice3A_73 in 1 : vector<256x128xf32>, vector<256x128xf32> -> vector<256x256xf32>
      %get3A_74 = arith.constant 0 : index
      %get3A_75 = arith.constant 0 : index
      %get3A_76 = vector.load %arg8[%get3A_74, %get3A_75] : memref<256x128xf32, #tpu.memory_space<vmem>>, vector<256x128xf32>
      %dot_general3A_77 = arith.constant dense<0.000000e+00> : vector<256x128xf32>
      %dot_general3A_78 = tpu.matmul %concatenate3A, %get3A_76, %dot_general3A_77 {dimension_numbers = #tpu.dot_dimension_numbers<[1], [0], [0], [1], [0, 0, 1, 1], [], []>, transpose_lhs_hint = false} : vector<256x256xf32>, vector<256x128xf32>, vector<256x128xf32> -> vector<256x128xf32>
      %get3A_79 = arith.constant 0 : index
      %get3A_80 = arith.constant 0 : index
      %get3A_81 = vector.load %arg9[%get3A_79, %get3A_80] : memref<1x128xf32, #tpu.memory_space<vmem>>, vector<1x128xf32>
      %add3A_82 = vector.broadcast %get3A_81 : vector<1x128xf32> to vector<256x128xf32>
      %add3A_83 = arith.addf %dot_general3A_78, %add3A_82 : vector<256x128xf32>
      %get3A_84 = arith.constant 0 : index
      %get3A_85 = arith.constant 0 : index
      %get3A_86 = vector.load %arg10[%get3A_84, %get3A_85] : memref<1x128xf32, #tpu.memory_space<vmem>>, vector<1x128xf32>
      %rsqrt3A_87 = arith.constant 1.000010e+00 : f32
      %rsqrt3A_88 = math.rsqrt %rsqrt3A_87 : f32
      %mul3A_89 = vector.broadcast %rsqrt3A_88 : f32 to vector<1x128xf32>
      %mul3A_90 = arith.mulf %get3A_86, %mul3A_89 : vector<1x128xf32>
      %mul3A_91 = vector.broadcast %mul3A_90 : vector<1x128xf32> to vector<256x128xf32>
      %mul3A_92 = arith.mulf %add3A_83, %mul3A_91 : vector<256x128xf32>
      %get3A_93 = arith.constant 0 : index
      %get3A_94 = arith.constant 0 : index
      %get3A_95 = vector.load %arg11[%get3A_93, %get3A_94] : memref<1x128xf32, #tpu.memory_space<vmem>>, vector<1x128xf32>
      %add3A_96 = vector.broadcast %get3A_95 : vector<1x128xf32> to vector<256x128xf32>
      %add3A_97 = arith.addf %mul3A_92, %add3A_96 : vector<256x128xf32>
      %max3A_98 = arith.constant 0.000000e+00 : f32
      %max3A_99 = vector.broadcast %max3A_98 : f32 to vector<256x128xf32>
      %max3A_100 = arith.maximumf %add3A_97, %max3A_99 : vector<256x128xf32>
      %get3A_101 = arith.constant 0 : index
      %get3A_102 = arith.constant 0 : index
      %get3A_103 = vector.load %arg12[%get3A_101, %get3A_102] : memref<128x64xf32, #tpu.memory_space<vmem>>, vector<128x64xf32>
      %dot_general3A_104 = arith.constant dense<0.000000e+00> : vector<256x64xf32>
      %dot_general3A_105 = tpu.matmul %max3A_100, %get3A_103, %dot_general3A_104 {dimension_numbers = #tpu.dot_dimension_numbers<[1], [0], [0], [1], [0, 0, 1, 1], [], []>, transpose_lhs_hint = false} : vector<256x128xf32>, vector<128x64xf32>, vector<256x64xf32> -> vector<256x64xf32>
      %get3A_106 = arith.constant 0 : index
      %get3A_107 = arith.constant 0 : index
      %get3A_108 = vector.load %arg13[%get3A_106, %get3A_107] : memref<1x64xf32, #tpu.memory_space<vmem>>, vector<1x64xf32>
      %add3A_109 = vector.broadcast %get3A_108 : vector<1x64xf32> to vector<256x64xf32>
      %add3A_110 = arith.addf %dot_general3A_105, %add3A_109 : vector<256x64xf32>
      %get3A_111 = arith.constant 0 : index
      %get3A_112 = arith.constant 0 : index
      %get3A_113 = vector.load %arg14[%get3A_111, %get3A_112] : memref<1x64xf32, #tpu.memory_space<vmem>>, vector<1x64xf32>
      %rsqrt3A_114 = arith.constant 1.000010e+00 : f32
      %rsqrt3A_115 = math.rsqrt %rsqrt3A_114 : f32
      %mul3A_116 = vector.broadcast %rsqrt3A_115 : f32 to vector<1x64xf32>
      %mul3A_117 = arith.mulf %get3A_113, %mul3A_116 : vector<1x64xf32>
      %mul3A_118 = vector.broadcast %mul3A_117 : vector<1x64xf32> to vector<256x64xf32>
      %mul3A_119 = arith.mulf %add3A_110, %mul3A_118 : vector<256x64xf32>
      %get3A_120 = arith.constant 0 : index
      %get3A_121 = arith.constant 0 : index
      %get3A_122 = vector.load %arg15[%get3A_120, %get3A_121] : memref<1x64xf32, #tpu.memory_space<vmem>>, vector<1x64xf32>
      %add3A_123 = vector.broadcast %get3A_122 : vector<1x64xf32> to vector<256x64xf32>
      %add3A_124 = arith.addf %mul3A_119, %add3A_123 : vector<256x64xf32>
      %max3A_125 = arith.constant 0.000000e+00 : f32
      %max3A_126 = vector.broadcast %max3A_125 : f32 to vector<256x64xf32>
      %max3A_127 = arith.maximumf %add3A_124, %max3A_126 : vector<256x64xf32>
      %get3A_128 = arith.constant 0 : index
      %get3A_129 = arith.constant 0 : index
      %get3A_130 = vector.load %arg16[%get3A_128, %get3A_129] : memref<64x128xf32, #tpu.memory_space<vmem>>, vector<64x128xf32>
      %dot_general3A_131 = arith.constant dense<0.000000e+00> : vector<256x128xf32>
      %dot_general3A_132 = tpu.matmul %max3A_127, %get3A_130, %dot_general3A_131 {dimension_numbers = #tpu.dot_dimension_numbers<[1], [0], [0], [1], [0, 0, 1, 1], [], []>, transpose_lhs_hint = false} : vector<256x64xf32>, vector<64x128xf32>, vector<256x128xf32> -> vector<256x128xf32>
      %get3A_133 = arith.constant 0 : index
      %get3A_134 = arith.constant 0 : index
      %get3A_135 = vector.load %arg17[%get3A_133, %get3A_134] : memref<1x128xf32, #tpu.memory_space<vmem>>, vector<1x128xf32>
      %add3A_136 = vector.broadcast %get3A_135 : vector<1x128xf32> to vector<256x128xf32>
      %add3A_137 = arith.addf %dot_general3A_132, %add3A_136 : vector<256x128xf32>
      %swap3A_138 = arith.constant 0 : index
      %swap3A_139 = arith.constant 0 : index
      %swap3A_140 = vector.load %arg18[%swap3A_138, %swap3A_139] : memref<256x128xf32, #tpu.memory_space<vmem>>, vector<256x128xf32>
      tpu.vector_store %arg18[%swap3A_138, %swap3A_139], %add3A_137 {strides = array<i32>} : memref<256x128xf32, #tpu.memory_space<vmem>>, vector<256x128xf32>,
    } else {
    }
    return
  }
  func.func @transform_0(%arg0: i32) -> (i32, i32) {
    %c0_i32 = arith.constant 0 : i32
    %c0_i32_0 = arith.constant 0 : i32
    return %arg0, %c0_i32 : i32, i32
  }
  func.func @transform_1(%arg0: i32) -> (i32, i32) {
    %c0_i32 = arith.constant 0 : i32
    %c0_i32_0 = arith.constant 0 : i32
    return %arg0, %c0_i32 : i32, i32
  }
  func.func @transform_2(%arg0: i32) -> (i32, i32) {
    %c0_i32 = arith.constant 0 : i32
    %c0_i32_0 = arith.constant 0 : i32
    return %arg0, %c0_i32 : i32, i32
  }
  func.func @transform_3(%arg0: i32) -> (i32, i32) {
    %c0_i32 = arith.constant 0 : i32
    %c0_i32_0 = arith.constant 0 : i32
    return %arg0, %c0_i32 : i32, i32
  }
  func.func @transform_4(%arg0: i32) -> (i32, i32) {
    %c0_i32 = arith.constant 0 : i32
    %c0_i32_0 = arith.constant 0 : i32
    %c0_i32_1 = arith.constant 0 : i32
    return %c0_i32, %c0_i32_0 : i32, i32
  }
  func.func @transform_5(%arg0: i32) -> (i32, i32) {
    %c0_i32 = arith.constant 0 : i32
    %c0_i32_0 = arith.constant 0 : i32
    %c0_i32_1 = arith.constant 0 : i32
    return %c0_i32, %c0_i32_0 : i32, i32
  }
  func.func @transform_6(%arg0: i32) -> (i32, i32) {
    %c0_i32 = arith.constant 0 : i32
    %c0_i32_0 = arith.constant 0 : i32
    %c0_i32_1 = arith.constant 0 : i32
    return %c0_i32, %c0_i32_0 : i32, i32
  }
  func.func @transform_7(%arg0: i32) -> (i32, i32) {
    %c0_i32 = arith.constant 0 : i32
    %c0_i32_0 = arith.constant 0 : i32
    %c0_i32_1 = arith.constant 0 : i32
    return %c0_i32, %c0_i32_0 : i32, i32
  }
  func.func @transform_8(%arg0: i32) -> (i32, i32) {
    %c0_i32 = arith.constant 0 : i32
    %c0_i32_0 = arith.constant 0 : i32
    %c0_i32_1 = arith.constant 0 : i32
    return %c0_i32, %c0_i32_0 : i32, i32
  }
  func.func @transform_9(%arg0: i32) -> (i32, i32) {
    %c0_i32 = arith.constant 0 : i32
    %c0_i32_0 = arith.constant 0 : i32
    %c0_i32_1 = arith.constant 0 : i32
    return %c0_i32, %c0_i32_0 : i32, i32
  }
  func.func @transform_10(%arg0: i32) -> (i32, i32) {
    %c0_i32 = arith.constant 0 : i32
    %c0_i32_0 = arith.constant 0 : i32
    %c0_i32_1 = arith.constant 0 : i32
    return %c0_i32, %c0_i32_0 : i32, i32
  }
  func.func @transform_11(%arg0: i32) -> (i32, i32) {
    %c0_i32 = arith.constant 0 : i32
    %c0_i32_0 = arith.constant 0 : i32
    %c0_i32_1 = arith.constant 0 : i32
    return %c0_i32, %c0_i32_0 : i32, i32
  }
  func.func @transform_12(%arg0: i32) -> (i32, i32) {
    %c0_i32 = arith.constant 0 : i32
    %c0_i32_0 = arith.constant 0 : i32
    %c0_i32_1 = arith.constant 0 : i32
    return %c0_i32, %c0_i32_0 : i32, i32
  }
  func.func @transform_13(%arg0: i32) -> (i32, i32) {
    %c0_i32 = arith.constant 0 : i32
    %c0_i32_0 = arith.constant 0 : i32
    %c0_i32_1 = arith.constant 0 : i32
    return %c0_i32, %c0_i32_0 : i32, i32
  }
  func.func @transform_14(%arg0: i32) -> (i32, i32) {
    %c0_i32 = arith.constant 0 : i32
    %c0_i32_0 = arith.constant 0 : i32
    %c0_i32_1 = arith.constant 0 : i32
    return %c0_i32, %c0_i32_0 : i32, i32
  }
  func.func @transform_15(%arg0: i32) -> (i32, i32) {
    %c0_i32 = arith.constant 0 : i32
    %c0_i32_0 = arith.constant 0 : i32
    %c0_i32_1 = arith.constant 0 : i32
    return %c0_i32, %c0_i32_0 : i32, i32
  }
  func.func @transform_16(%arg0: i32) -> (i32, i32) {
    %c0_i32 = arith.constant 0 : i32
    %c0_i32_0 = arith.constant 0 : i32
    %c0_i32_1 = arith.constant 0 : i32
    return %c0_i32, %c0_i32_0 : i32, i32
  }
  func.func @transform_17(%arg0: i32) -> (i32, i32) {
    %c0_i32 = arith.constant 0 : i32
    %c0_i32_0 = arith.constant 0 : i32
    %c0_i32_1 = arith.constant 0 : i32
    return %c0_i32, %c0_i32_0 : i32, i32
  }
}

</mosaic_0001>

<sc_bundles>
// kernel: kernel.10.cloned.1.call-start
scs
__scs_entry_jumppad:
0x0: {  	(pc) =	sbr.rel $0x88, $3  }
0x1: {  	(tag) =	ssettag $0x0;
	lr =	simm.s32 $0x1  }
0x2: {  	[smem:$0x3F85] =	sst lr;
	_ =	strace $0xD0000000  }
0x3: {  	_ = 	snop  }
0x4: {  	_ = 	snop  }
0x5: {  	_ = 	snop  }
0x6: {  	_ = 	snop  }
0x7: {  	_ = 	snop  }
__scs_overlays_trampoline_lowered:
0x8: {  	[smem:$0x3F94] =	sst s0  }
0x9: {  	[smem:$0x3F95] =	sst s1  }
0xa: {  	[smem:$0x3F96] =	sst s2  }
0xb: {  	[smem:$0x3F97] =	sst s3  }
0xc: {  	[smem:$0x3F98] =	sst s4  }
0xd: {  	[smem:$0x3F99] =	sst s5  }
0xe: {  	[smem:$0x3F9A] =	sst s6  }
0xf: {  	[smem:$0x3F9B] =	sst s7  }
0x10: {  	[smem:$0x3F9C] =	sst s8  }
0x11: {  	[smem:$0x3F9D] =	sst s9;
	s0 =	simm.s32 @!p0 $0x0  }
0x12: {  	s1 =	sld [smem:$0x3F83];
	s0 =	simm.s32 @p0 $0x1  }
0x13: {  	[smem:$0x3F9E] =	sst s0;
	s0 =	simm.s32 @!p1 $0x0  }
0x14: {  	s2 =	sld [smem:$0x3F82];
	s0 =	simm.s32 @p1 $0x1  }
0x15: {  	[smem:$0x3F9F] =	sst s0;
	s0 =	simm.s32 @!p2 $0x0  }
0x16: {  	s3 =	sld [smem:$0x3FDB];
	s0 =	simm.s32 @p2 $0x1  }
0x17: {  	s4 =	simm.s32 $0x1BF5;
	[smem:$0x3FA1] =	sst s0  }
0x18: {  	s0 =	sld [smem:$0x3F84];
	_ =	swait.ge [sflag:s4], $0x0  }
0x19: {  	s7 =	sld [smem:$0x3F85]  }
0x1a: {  	s8 =	sadd.s32 $0xFFFFE003, lr  }
0x1b: {  	s9 =	sadd.s32 $0xFFFFFEF7, lr;
	s5 =	simm.s32 $0xFFFFFFFF;
	p2 =	slt.u32 s8, $0xFFFFF086  }
0x1c: {  	p1 =	slt.u32 s9, $0xF7A;
	s5 =	simm.s32 @!p2 $0x0  }
0x1d: {  	s5 =	simm.s32 @p1 $0x1;
	p0 =	seq.s32 s7, s2  }
0x1e: {  	s7 =	smul.u32 @!p0 $0xF7A, s2;
	p2 =	seq.s32 @!p0 s5, $0x0  }
0x1f: {  	s9 =	smul.u32 $0xF7A, s1;
	s8 =	simm.s32 @!p0 $0x1BF5;
	p2 =	por !p2, p0  }
0x20: {  	[sflag:s8] =	ssyncset.s32 @!p0 $0xFFFFF086;
	s6 =	sadd.s32 @!p0 s3, s7;
	s7 =	simm.s32 @!p0 $0x108  }
0x21: {  	s3 =	sadd.s32 s3, s9;
	s6 =	sadd.s32 @!p0 $0x88, s6;
	s7 =	simm.s32 @p2 $0x1082  }
0x22: {  	[simem:s7], [sflag:s8] =	dma.local @!p0 [hbm:s6], $0xF7A  }
0x23: {  	s9 =	sor.u32 $0xD0000000, s2;
	s6 =	simm.s32 $0x108;
	_ =	swait.ge @!p0 [sflag:s8], $0x0  }
0x24: {  	s3 =	sadd.s32 $0x88, s3;
	s6 =	simm.s32 @!p1 $0x1082;
	[sflag:s4] =	ssyncset.s32 $0xFFFFF086  }
0x25: {  	[simem:s6], [sflag:s4] =	dma.local [hbm:s3], $0xF7A  }
0x26: {  	[smem:$0x3F85] =	sst s1;
	(tag) =	ssettag s2;
	_ =	strace s9  }
0x27: {  	s1 =	sld [smem:$0x3F95]  }
0x28: {  	s2 =	sld [smem:$0x3F96]  }
0x29: {  	s4 =	sld [smem:$0x3F98]  }
0x2a: {  	p0 =	seq.s32 s5, $0x0;
	s5 =	sld [smem:$0x3F99]  }
0x2b: {  	s6 =	sld [smem:$0x3F9A]  }
0x2c: {  	s7 =	sld [smem:$0x3F9B]  }
0x2d: {  	s3 =	simm.s32 $0x108;
	s8 =	sld [smem:$0x3F9C]  }
0x2e: {  	s3 =	simm.s32 @!p0 $0x1082;
	s9 =	sld [smem:$0x3F9D]  }
0x2f: {  	lr =	sadd.s32 s0, s3;
	s0 =	sld [smem:$0x3F94]  }
0x30: {  	s3 =	sld [smem:$0x3F97]  }
0x31: {  	[smem:$0x3FA0] =	sst s10  }
0x32: {  	s10 =	sld [smem:$0x3F9E];
	_ =	sdelay $0x3  }
0x33: {  	p0 =	seq.s32 s10, $0x1;
	s10 =	sld [smem:$0x3FA0];
	_ =	sdelay $0x3  }
0x34: {  	[smem:$0x3FA0] =	sst s10  }
0x35: {  	s10 =	sld [smem:$0x3F9F];
	_ =	sdelay $0x3  }
0x36: {  	p1 =	seq.s32 s10, $0x1;
	s10 =	sld [smem:$0x3FA0];
	_ =	sdelay $0x3  }
0x37: {  	[smem:$0x3FA0] =	sst s10  }
0x38: {  	s10 =	sld [smem:$0x3FA1]  }
0x39: {  	_ = 	snop;
	(pc) =	sbr.ind lr, $3  }
0x3a: {  	_ = 	snop  }
0x3b: {  	_ = 	snop  }
0x3c: {  	p2 =	seq.s32 s10, $0x1;
	s10 =	sld [smem:$0x3FA0]  }
0x3d: {  	_ =	shalt  }
0x3e: {  	_ =	shalt  }
0x3f: {  	_ =	shalt  }
0x40: {  	_ =	shalt  }
0x41: {  	_ =	shalt  }
0x42: {  	_ =	shalt  }
0x43: {  	_ =	shalt  }
0x44: {  	_ =	shalt  }
0x45: {  	_ =	shalt  }
0x46: {  	_ =	shalt  }
0x47: {  	_ =	shalt  }
0x48: {  	_ =	shalt  }
0x49: {  	_ =	shalt  }
0x4a: {  	_ =	shalt  }
0x4b: {  	_ =	shalt  }
0x4c: {  	_ =	shalt  }
0x4d: {  	_ =	shalt  }
0x4e: {  	_ =	shalt  }
0x4f: {  	_ =	shalt  }
0x50: {  	_ =	shalt  }
0x51: {  	_ =	shalt  }
0x52: {  	_ =	shalt  }
0x53: {  	_ =	shalt  }
0x54: {  	_ =	shalt  }
0x55: {  	_ =	shalt  }
0x56: {  	_ =	shalt  }
0x57: {  	_ =	shalt  }
0x58: {  	_ =	shalt  }
0x59: {  	_ =	shalt  }
0x5a: {  	_ =	shalt  }
0x5b: {  	_ =	shalt  }
0x5c: {  	_ =	shalt  }
0x5d: {  	_ =	shalt  }
0x5e: {  	_ =	shalt  }
0x5f: {  	_ =	shalt  }
0x60: {  	_ =	shalt  }
0x61: {  	_ =	shalt  }
0x62: {  	_ =	shalt  }
0x63: {  	_ =	shalt  }
0x64: {  	_ =	shalt  }
0x65: {  	_ =	shalt  }
0x66: {  	_ =	shalt  }
0x67: {  	_ =	shalt  }
0x68: {  	_ =	shalt  }
0x69: {  	_ =	shalt  }
0x6a: {  	_ =	shalt  }
0x6b: {  	_ =	shalt  }
0x6c: {  	_ =	shalt  }
0x6d: {  	_ =	shalt  }
0x6e: {  	_ =	shalt  }
0x6f: {  	_ =	shalt  }
0x70: {  	_ =	shalt  }
0x71: {  	_ =	shalt  }
0x72: {  	_ =	shalt  }
0x73: {  	_ =	shalt  }
0x74: {  	_ =	shalt  }
0x75: {  	_ =	shalt  }
0x76: {  	_ =	shalt  }
0x77: {  	_ =	shalt  }
0x78: {  	_ =	shalt  }
0x79: {  	_ =	shalt  }
0x7a: {  	_ =	shalt  }
0x7b: {  	_ =	shalt  }
0x7c: {  	_ =	shalt  }
0x7d: {  	_ =	shalt  }
0x7e: {  	_ =	shalt  }
0x7f: {  	_ =	shalt  }
0x80: {  	_ =	shalt  }
0x81: {  	_ =	shalt  }
0x82: {  	_ =	shalt  }
0x83: {  	_ =	shalt  }
0x84: {  	_ =	shalt  }
0x85: {  	_ =	shalt  }
0x86: {  	_ =	shalt  }
0x87: {  	_ =	shalt  }
.Lfunc_end0:
.L_simem_size_0:
called_computation_lowered:
.L_overlay_start_0:
0x88: {  	s2 =	sld [smem:$0x3FD9]  }
0x89: {  	s3 =	sld [smem:$0x3FFE];
	_ =	sdelay $0x1  }
0x8a: {  	s1 =	srdreg.scid  }
0x8b: {  	s0 =	sand.u32 $0x1, s1  }
0x8c: {  	s17 =	sshll.u32 s0, $0xA;
	s2 =	sadd.s32 s3, s2  }
0x8d: {  	s2 =	sadd.s32 s2, s17  }
0x8e: {  	[smem:$0x3FAC] =	sst s2  }
0x8f: {  	_ = 	snop  }
0x90: {  	s2 =	sld [smem:$0x3FD0];
	(tm) =	ssettm $0x1  }
0x91: {  	s18 =	sld [smem:$0x3FFB];
	_ =	sdelay $0x3  }
0x92: {  	_ =	strace s18  }
0x93: {  	s3 =	sld [smem:$0x3FFC];
	_ =	sdelay $0x3  }
0x94: {  	_ =	strace s3  }
0x95: {  	s3 =	sld [smem:$0x3FFD];
	_ =	sdelay $0x3  }
0x96: {  	_ =	strace s3  }
0x97: {  	_ =	strace $0x8FFFFFFF  }
0x98: {  	s19 =	sld [smem:$0x3FDB];
	_ =	sdelay $0x1  }
0x99: {  	s4 =	simm.s32 $_scs_section_size  }
0x9a: {  	s5 =	simm.s32 $_size__tile_overlayer_lowered;
	s6 =	simm.s32 $_tile_overlayer_lowered  }
0x9b: {  	s22 =	simm.s32 $0x1BFF;
	s21 =	sshll.u32 s6, $0x1;
	s3 =	sadd.s32 s4, s19  }
0x9c: {  	s7 =	simm.s32 $0x0;
	s20 =	sshll.u32 s5, $0x1;
	s5 =	sadd.s32 s21, s3  }
0x9d: {  	[timem:s7], [sflag:s22] =	dma.local [hbm:s5], s20  }
0x9e: {  	_ =	swait.ge [sflag:s22], s20  }
0x9f: {  	s4 =	ssub.s32 $0x0, s20;
	[sflag:s22] =	ssyncset.done $0x0  }
0xa0: {  	[sflag:s22] =	ssyncadd.s32 s4;
	_ =	sdelay $0x1  }
0xa1: {  	s23 =	simm.s32 $0x1B8B  }
0xa2: {  	_ =	swait.ge [sflag:s23], $0x1  }
0xa3: {  	[sflag:s23] =	ssyncset.done $0x0  }
0xa4: {  	s25 =	simm.s32 $0x1B8E;
	s24 =	sld [smem:$0x3FFE];
	[sflag:s23] =	ssyncadd.s32 $0xFFFFFFFF  }
0xa5: {  	s26 =	simm.s32 $execute0_lowered;
	[smem:$0x3FD2] =	sst s25  }
0xa6: {  	s5 =	sshll.u32 s26, $0x1;
	_ =	strace $0x80000046;
	[dreg:$0x1] =	wrdreg $0xFFFFFFFF  }
0xa7: {  	s28 =	simm.s32 $_size_execute0_lowered;
	s3 =	sadd.s32 s3, s5;
	[dreg:$0x0] =	wrdreg $0x0  }
0xa8: {  	s5 =	sshll.u32 s28, $0x1;
	[dreg:$0x2] =	wrdreg s3  }
0xa9: {  	[dreg:$0x3] =	wrdreg s5  }
0xaa: {  	[dreg:$0x4] =	wrdreg $0xC0  }
0xab: {  	_ =	task [dreg:s7], $0x5FFFF  }
0xac: {  	[dreg:$0x1] =	wrdreg $0xFFFFFFFF  }
0xad: {  	[dreg:$0x0] =	wrdreg $0x60  }
0xae: {  	[dreg:$0x2] =	wrdreg s24  }
0xaf: {  	[dreg:$0x3] =	wrdreg s2  }
0xb0: {  	[dreg:$0x4] =	wrdreg $0x9F800  }
0xb1: {  	[dreg:$0x5] =	wrdreg $0x9  }
0xb2: {  	_ =	task.clear_ibuf [dreg:s7], $0x6FFFF;
	_ =	strace $0x90000046  }
0xb3: {  	s29 =	simm.s32 $0x9;
	_ =	strace $0x80000048  }
0xb4: {  	_ =	swait.ge [sflag:s29], $0x1  }
0xb5: {  	[sflag:s29] =	ssyncadd.s32 $0xFFFFFFFF  }
0xb6: {  	_ =	strace $0x90000048  }
0xb7: {  	_ =	sfence  }
0xb8: {  	s30 =	sld [smem:$0x0];
	_ =	sdelay $0x2  }
0xb9: {  	s31 =	sshll.u32 s1, $0xD;
	s1 =	sshrl.u32 s1, $0x2  }
0xba: {  	s3 =	sand.u32 $0x4000, s31;
	s1 =	sadd.s32 s1, s30  }
0xbb: {  	s0 =	sor.u32 s3, s0;
	s1 =	sshll.u32 s1, $0x11  }
0xbc: {  	s0 =	sor.u32 s1, s0  }
0xbd: {  	s0 =	sadd.s32 $0x8F2B, s0  }
0xbe: {  	[sflag:s0] =	ssyncadd.remote.s32 $0x1  }
0xbf: {  	_ =	sfence.sel $0xFFFF  }
0xc0: {  	[dreg:$0x0] =	wrdreg $0xFFFFFFFF;
	(pc) =	sbr.abs _section_cstart, $3  }
0xc1: {  	[dreg:$0x1] =	wrdreg $0xFFFFFFFF  }
0xc2: {  	_ =	task.clear_ibuf [dreg:s7], $0x2FFFF;
	_ =	strace $0x9FFFFFFF  }
0xc3: {  	(tm) =	ssettm $0x7FFFFFFF  }
tec
execute0_lowered:
.L_overlay_start_1:
0x0: {  	(tag) =	ssettag $0x1  }
0x1: {  	s5 =	rddreg [dreg:$0x0]  }
0x2: {  	s0 =	srdreg.scid;
	s1 =	rddreg [dreg:$0x1]  }
0x3: {  	s11 =	stileid.u32;
	s2 =	rddreg [dreg:$0x2]  }
0x4: {  	s3 =	simm.s32 $0x0;
	s14 =	simm.s32 $0x20;
	s15 =	simm.s32 $0x10  }
0x5: {  	s4 =	sand.u32 $0x1, s0;
	s7 =	smul.u32 $0x9F00, s11;
	s0 =	rddreg [dreg:$0x3]  }
0x6: {  	s16 =	simm.s32 $0x0;
	[smem:$0x7FF] =	sst s3;
	s30 =	smul.u32 $0x500, s11  }
0x7: {  	s9 =	smul.u32 $0xA00, s11;
	p0 =	sne.s32 s11, $0x0;
	s12 =	sshll.u32 s11, $0x6  }
0x8: {  	s11 =	simm.s32 $0x80;
	s6 =	smul.u32 $0x9F000, s4;
	_ =	strace $0x80000047  }
0x9: {  	s8 =	sshll.u32 s4, $0x7;
	s31 =	ssub.s32 $0x2, s4;
	s4 =	sadd.s32 $0x2C400, s5  }
0xa: {  	s12 =	sor.u32 $0x1C01, s12;
	s10 =	sshrl.u32 s31, $0x1;
	s9 =	sshrl.u32 s9, $0x2  }
0xb: {  	s6 =	sadd.s32 s7, s6;
	s7 =	sor.u32 s8, s30;
	s8 =	ssub.s32 s31, s10  }
0xc: {  	s13 =	sadd.s32 s9, s2;
	s9 =	simm.s32 $0x9F00;
	s6 =	sshrl.u32 s6, $0x3  }
0xd: {  	s10 =	sshrl.u32 @!p0 s2, $0x3;
	s7 =	sshrl.u32 s7, $0x3;
	s6 =	sadd.s32 s6, s5  }
0xe: {  	s13 =	sshrl.u32 s13, $0x3;
	s7 =	sadd.s32 s7, s5;
	s5 =	sadd.s32 $0x4800, s6  }
0xf: {  	s6 =	sadd.s32 $0x2CA00, s7;
	s7 =	smax.u32 s8, $0x1;
	s8 =	simm.s32 $0x1  }
.LBB2_1:
0x10: {  	[tilespmem:s3], [sflag:$0x1] =	stream.linear.gather [hbm4b:s5+s3], $0x9F00, $0x38;
	[tilespmem:$0xA200] =	vst v63  }
0x11: {  	_ =	swait.ge [sflag:s8], $0x9F00  }
0x12: {  	[sflag:s8] =	ssyncset.done $0x0  }
0x13: {  	[sflag:s8] =	ssyncadd.s32 $0xFFFF6100  }
0x14: {  	[tilespmem:s9], [sflag:$0x1] =	stream.linear.gather [hbm4b:s1+s3], $0x80, $0x38;
	[tilespmem:$0xA200] =	vst v63  }
0x15: {  	_ =	swait.ge [sflag:s8], $0x80  }
0x16: {  	[sflag:s8] =	ssyncset.done $0x0  }
0x17: {  	s17 =	simm.s32 @!p0 $0x1C01;
	[sflag:s8] =	ssyncadd.s32 $0xFFFFFF80  }
0x18: {  	[spmem:s10], [sflag:s17] =	dma.local @!p0 [hbm:s4], $0x500  }
0x19: {  	s17 =	simm.s32 @!p0 $0x1  }
0x1a: {  	_ =	swait.ge @!p0 [sflag:s17], $0x500  }
0x1b: {  	[sflag:s17] =	ssyncset.done @!p0 $0x0  }
0x1c: {  	[sflag:s17] =	ssyncadd.s32 @!p0 $0xFFFFFB00  }
0x1d: {  	s31 =	simm.s32 $0x80;
	[bflag:$0x0] =	sbarrier.arrive $0xFFFF  }
0x1e: {  	[spmem:s2] =	stream.indirect.scatter.add.f32 [tilespmem:s9], [sflag:$0x1], $0x1, s31, s11, $0xb8;
	[tilespmem:$0xA200] =	vst v63  }
0x1f: {  	_ =	swait.ge [sflag:s8], $0x80  }
0x20: {  	s17 =	simm.s32 $0x600;
	[sflag:s8] =	ssyncset.done $0x0  }
.LBB2_2:
0x21: {  	s18 =	sshra.s32 s17, $0x2;
	[sflag:s8] =	ssyncadd.s32 $0xFFFFFF80;
	p1 =	sne.s32 s17, $0x27200  }
0x22: {  	[spmem:s2] =	stream.indirect.scatter.add.f32 [tilespmem:s9], [sflag:$0x1], $0x1, s18, s11, $0xb8;
	[tilespmem:$0xA200] =	vst v63  }
.Ltmp0:
0x23: {  	_ = 	snop;
	(pc) =	sbr.rel @p1 .LBB2_2-.Ltmp0, $4  }
0x24: {  	_ = 	snop  }
0x25: {  	s17 =	sadd.s32 $0x400, s17  }
0x26: {  	_ =	swait.ge [sflag:s8], $0x80  }
0x27: {  	[sflag:s8] =	ssyncset.done $0x0  }
0x28: {  	s16 =	sadd.s32 $0x1, s16  }
0x29: {  	[sflag:s8] =	ssyncadd.s32 $0xFFFFFF80;
	p1 =	sne.s32 s16, s7  }
.Ltmp1:
0x2a: {  	[bflag:$0x0] =	sbarrier.arrive $0xFFFF;
	(pc) =	sbr.rel @p1 .LBB2_1-.Ltmp1, $4  }
0x2b: {  	[hbm:s6@s14], [sflag:s12] =	dma.strided [spmem:s13@s15], $0x50, s8, $0x10   }
0x2c: {  	_ =	swait.ge [sflag:s8], $0x50  }
0x2d: {  	[sflag:s8] =	ssyncset.done $0x0  }
0x2e: {  	[sflag:s8] =	ssyncadd.s32 $0xFFFFFFB0  }
0x2f: {  	_ =	sfence.sel $0x180000  }
0x30: {  	[bflag:$0x0] =	sbarrier.arrive $0xFFFF  }
0x31: {  	_ =	strace $0x90000047  }
0x32: {  	s0 =	sadd.s32 @!p0 $0x100000, s0;
	[bflag:$0x2] =	sbarrier.arrive $0xFFFF  }
0x33: {  	[sflag:s0] =	ssyncadd.tile.s32 @!p0 $0x1;
	_ =	shalt  }
.Lfunc_end2:
_tile_overlayer_lowered:
.L_overlay_start_2:
0x34: {  	(tag) =	ssettag $0x2  }
0x35: {  	s0 =	rddreg [dreg:$0x0];
	s2 =	stileid.u32  }
0x36: {  	s1 =	rddreg [dreg:$0x1];
	p0 =	sne.s32 s2, $0x0  }
0x37: {  	s3 =	rddreg [dreg:$0x2];
	[bflag:$0x3] =	sbarrier.arrive $0xFFFF;
	s2 =	simm.s32 @!p0 $0x1C01  }
0x38: {  	[timem:s3], [sflag:s2] =	dma.local @!p0 [hbm:s0], s1  }
0x39: {  	s0 =	simm.s32 @!p0 $0x1  }
0x3a: {  	_ =	swait.ge @!p0 [sflag:s0], s1  }
0x3b: {  	s1 =	ssub.s32 @!p0 $0x0, s1;
	[sflag:s0] =	ssyncset.done @!p0 $0x0  }
0x3c: {  	[sflag:s0] =	ssyncadd.s32 @!p0 s1  }
0x3d: {  	[bflag:$0x3] =	sbarrier.arrive $0xFFFF  }
0x3e: {  	_ =	shalt  }

// kernel: kernel.13.cloned.1.call-start
scs
__scs_entry_jumppad:
0x0: {  	(pc) =	sbr.rel $0x88, $3  }
0x1: {  	(tag) =	ssettag $0x0;
	lr =	simm.s32 $0x1  }
0x2: {  	[smem:$0x3F85] =	sst lr;
	_ =	strace $0xD0000000  }
0x3: {  	_ = 	snop  }
0x4: {  	_ = 	snop  }
0x5: {  	_ = 	snop  }
0x6: {  	_ = 	snop  }
0x7: {  	_ = 	snop  }
__scs_overlays_trampoline_lowered:
0x8: {  	[smem:$0x3F94] =	sst s0  }
0x9: {  	[smem:$0x3F95] =	sst s1  }
0xa: {  	[smem:$0x3F96] =	sst s2  }
0xb: {  	[smem:$0x3F97] =	sst s3  }
0xc: {  	[smem:$0x3F98] =	sst s4  }
0xd: {  	[smem:$0x3F99] =	sst s5  }
0xe: {  	[smem:$0x3F9A] =	sst s6  }
0xf: {  	[smem:$0x3F9B] =	sst s7  }
0x10: {  	[smem:$0x3F9C] =	sst s8  }
0x11: {  	[smem:$0x3F9D] =	sst s9;
	s0 =	simm.s32 @!p0 $0x0  }
0x12: {  	s1 =	sld [smem:$0x3F83];
	s0 =	simm.s32 @p0 $0x1  }
0x13: {  	[smem:$0x3F9E] =	sst s0;
	s0 =	simm.s32 @!p1 $0x0  }
0x14: {  	s2 =	sld [smem:$0x3F82];
	s0 =	simm.s32 @p1 $0x1  }
0x15: {  	[smem:$0x3F9F] =	sst s0;
	s0 =	simm.s32 @!p2 $0x0  }
0x16: {  	s3 =	sld [smem:$0x3FDB];
	s0 =	simm.s32 @p2 $0x1  }
0x17: {  	s4 =	simm.s32 $0x1BF5;
	[smem:$0x3FA1] =	sst s0  }
0x18: {  	s0 =	sld [smem:$0x3F84];
	_ =	swait.ge [sflag:s4], $0x0  }
0x19: {  	s7 =	sld [smem:$0x3F85]  }
0x1a: {  	s8 =	sadd.s32 $0xFFFFE003, lr  }
0x1b: {  	s9 =	sadd.s32 $0xFFFFFEF7, lr;
	s5 =	simm.s32 $0xFFFFFFFF;
	p2 =	slt.u32 s8, $0xFFFFF086  }
0x1c: {  	p1 =	slt.u32 s9, $0xF7A;
	s5 =	simm.s32 @!p2 $0x0  }
0x1d: {  	s5 =	simm.s32 @p1 $0x1;
	p0 =	seq.s32 s7, s2  }
0x1e: {  	s7 =	smul.u32 @!p0 $0xF7A, s2;
	p2 =	seq.s32 @!p0 s5, $0x0  }
0x1f: {  	s9 =	smul.u32 $0xF7A, s1;
	s8 =	simm.s32 @!p0 $0x1BF5;
	p2 =	por !p2, p0  }
0x20: {  	[sflag:s8] =	ssyncset.s32 @!p0 $0xFFFFF086;
	s6 =	sadd.s32 @!p0 s3, s7;
	s7 =	simm.s32 @!p0 $0x108  }
0x21: {  	s3 =	sadd.s32 s3, s9;
	s6 =	sadd.s32 @!p0 $0x88, s6;
	s7 =	simm.s32 @p2 $0x1082  }
0x22: {  	[simem:s7], [sflag:s8] =	dma.local @!p0 [hbm:s6], $0xF7A  }
0x23: {  	s9 =	sor.u32 $0xD0000000, s2;
	s6 =	simm.s32 $0x108;
	_ =	swait.ge @!p0 [sflag:s8], $0x0  }
0x24: {  	s3 =	sadd.s32 $0x88, s3;
	s6 =	simm.s32 @!p1 $0x1082;
	[sflag:s4] =	ssyncset.s32 $0xFFFFF086  }
0x25: {  	[simem:s6], [sflag:s4] =	dma.local [hbm:s3], $0xF7A  }
0x26: {  	[smem:$0x3F85] =	sst s1;
	(tag) =	ssettag s2;
	_ =	strace s9  }
0x27: {  	s1 =	sld [smem:$0x3F95]  }
0x28: {  	s2 =	sld [smem:$0x3F96]  }
0x29: {  	s4 =	sld [smem:$0x3F98]  }
0x2a: {  	p0 =	seq.s32 s5, $0x0;
	s5 =	sld [smem:$0x3F99]  }
0x2b: {  	s6 =	sld [smem:$0x3F9A]  }
0x2c: {  	s7 =	sld [smem:$0x3F9B]  }
0x2d: {  	s3 =	simm.s32 $0x108;
	s8 =	sld [smem:$0x3F9C]  }
0x2e: {  	s3 =	simm.s32 @!p0 $0x1082;
	s9 =	sld [smem:$0x3F9D]  }
0x2f: {  	lr =	sadd.s32 s0, s3;
	s0 =	sld [smem:$0x3F94]  }
0x30: {  	s3 =	sld [smem:$0x3F97]  }
0x31: {  	[smem:$0x3FA0] =	sst s10  }
0x32: {  	s10 =	sld [smem:$0x3F9E];
	_ =	sdelay $0x3  }
0x33: {  	p0 =	seq.s32 s10, $0x1;
	s10 =	sld [smem:$0x3FA0];
	_ =	sdelay $0x3  }
0x34: {  	[smem:$0x3FA0] =	sst s10  }
0x35: {  	s10 =	sld [smem:$0x3F9F];
	_ =	sdelay $0x3  }
0x36: {  	p1 =	seq.s32 s10, $0x1;
	s10 =	sld [smem:$0x3FA0];
	_ =	sdelay $0x3  }
0x37: {  	[smem:$0x3FA0] =	sst s10  }
0x38: {  	s10 =	sld [smem:$0x3FA1]  }
0x39: {  	_ = 	snop;
	(pc) =	sbr.ind lr, $3  }
0x3a: {  	_ = 	snop  }
0x3b: {  	_ = 	snop  }
0x3c: {  	p2 =	seq.s32 s10, $0x1;
	s10 =	sld [smem:$0x3FA0]  }
0x3d: {  	_ =	shalt  }
0x3e: {  	_ =	shalt  }
0x3f: {  	_ =	shalt  }
0x40: {  	_ =	shalt  }
0x41: {  	_ =	shalt  }
0x42: {  	_ =	shalt  }
0x43: {  	_ =	shalt  }
0x44: {  	_ =	shalt  }
0x45: {  	_ =	shalt  }
0x46: {  	_ =	shalt  }
0x47: {  	_ =	shalt  }
0x48: {  	_ =	shalt  }
0x49: {  	_ =	shalt  }
0x4a: {  	_ =	shalt  }
0x4b: {  	_ =	shalt  }
0x4c: {  	_ =	shalt  }
0x4d: {  	_ =	shalt  }
0x4e: {  	_ =	shalt  }
0x4f: {  	_ =	shalt  }
0x50: {  	_ =	shalt  }
0x51: {  	_ =	shalt  }
0x52: {  	_ =	shalt  }
0x53: {  	_ =	shalt  }
0x54: {  	_ =	shalt  }
0x55: {  	_ =	shalt  }
0x56: {  	_ =	shalt  }
0x57: {  	_ =	shalt  }
0x58: {  	_ =	shalt  }
0x59: {  	_ =	shalt  }
0x5a: {  	_ =	shalt  }
0x5b: {  	_ =	shalt  }
0x5c: {  	_ =	shalt  }
0x5d: {  	_ =	shalt  }
0x5e: {  	_ =	shalt  }
0x5f: {  	_ =	shalt  }
0x60: {  	_ =	shalt  }
0x61: {  	_ =	shalt  }
0x62: {  	_ =	shalt  }
0x63: {  	_ =	shalt  }
0x64: {  	_ =	shalt  }
0x65: {  	_ =	shalt  }
0x66: {  	_ =	shalt  }
0x67: {  	_ =	shalt  }
0x68: {  	_ =	shalt  }
0x69: {  	_ =	shalt  }
0x6a: {  	_ =	shalt  }
0x6b: {  	_ =	shalt  }
0x6c: {  	_ =	shalt  }
0x6d: {  	_ =	shalt  }
0x6e: {  	_ =	shalt  }
0x6f: {  	_ =	shalt  }
0x70: {  	_ =	shalt  }
0x71: {  	_ =	shalt  }
0x72: {  	_ =	shalt  }
0x73: {  	_ =	shalt  }
0x74: {  	_ =	shalt  }
0x75: {  	_ =	shalt  }
0x76: {  	_ =	shalt  }
0x77: {  	_ =	shalt  }
0x78: {  	_ =	shalt  }
0x79: {  	_ =	shalt  }
0x7a: {  	_ =	shalt  }
0x7b: {  	_ =	shalt  }
0x7c: {  	_ =	shalt  }
0x7d: {  	_ =	shalt  }
0x7e: {  	_ =	shalt  }
0x7f: {  	_ =	shalt  }
0x80: {  	_ =	shalt  }
0x81: {  	_ =	shalt  }
0x82: {  	_ =	shalt  }
0x83: {  	_ =	shalt  }
0x84: {  	_ =	shalt  }
0x85: {  	_ =	shalt  }
0x86: {  	_ =	shalt  }
0x87: {  	_ =	shalt  }
.Lfunc_end0:
.L_simem_size_0:
called_computation.1_lowered:
.L_overlay_start_0:
0x88: {  	s2 =	sld [smem:$0x3FD9]  }
0x89: {  	s3 =	sld [smem:$0x3FFE];
	_ =	sdelay $0x1  }
0x8a: {  	s1 =	srdreg.scid  }
0x8b: {  	s0 =	sand.u32 $0x1, s1  }
0x8c: {  	s16 =	sshll.u32 s0, $0xA;
	s2 =	sadd.s32 s3, s2  }
0x8d: {  	s2 =	sadd.s32 s2, s16  }
0x8e: {  	[smem:$0x3FAC] =	sst s2  }
0x8f: {  	_ = 	snop  }
0x90: {  	(tm) =	ssettm $0x1  }
0x91: {  	s17 =	sld [smem:$0x3FFB];
	_ =	sdelay $0x3  }
0x92: {  	_ =	strace s17  }
0x93: {  	s2 =	sld [smem:$0x3FFC];
	_ =	sdelay $0x3  }
0x94: {  	_ =	strace s2  }
0x95: {  	s2 =	sld [smem:$0x3FFD];
	_ =	sdelay $0x3  }
0x96: {  	_ =	strace s2  }
0x97: {  	_ =	strace $0x8FFFFFFF  }
0x98: {  	s18 =	sld [smem:$0x3FDB];
	_ =	sdelay $0x1  }
0x99: {  	s19 =	simm.s32 $_scs_section_size  }
0x9a: {  	s4 =	simm.s32 $_size__tile_overlayer_lowered;
	s5 =	simm.s32 $_tile_overlayer_lowered  }
0x9b: {  	s22 =	simm.s32 $0x1BFF;
	s21 =	sshll.u32 s5, $0x1;
	s2 =	sadd.s32 s19, s18  }
0x9c: {  	s6 =	simm.s32 $0x0;
	s20 =	sshll.u32 s4, $0x1;
	s4 =	sadd.s32 s21, s2  }
0x9d: {  	[timem:s6], [sflag:s22] =	dma.local [hbm:s4], s20  }
0x9e: {  	_ =	swait.ge [sflag:s22], s20  }
0x9f: {  	s3 =	ssub.s32 $0x0, s20;
	[sflag:s22] =	ssyncset.done $0x0  }
0xa0: {  	[sflag:s22] =	ssyncadd.s32 s3;
	_ =	sdelay $0x1  }
0xa1: {  	s23 =	simm.s32 $0x1B8B  }
0xa2: {  	_ =	swait.ge [sflag:s23], $0x1  }
0xa3: {  	[sflag:s23] =	ssyncset.done $0x0  }
0xa4: {  	s25 =	simm.s32 $0x1B8E;
	s24 =	sld [smem:$0x3FFE];
	[sflag:s23] =	ssyncadd.s32 $0xFFFFFFFF  }
0xa5: {  	s26 =	simm.s32 $execute0_lowered;
	[smem:$0x3FD2] =	sst s25  }
0xa6: {  	s4 =	sshll.u32 s26, $0x1;
	_ =	strace $0x80000049;
	[dreg:$0x1] =	wrdreg $0xFFFFFFFF  }
0xa7: {  	s28 =	simm.s32 $_size_execute0_lowered;
	s2 =	sadd.s32 s2, s4;
	[dreg:$0x0] =	wrdreg $0x0  }
0xa8: {  	s4 =	sshll.u32 s28, $0x1;
	[dreg:$0x2] =	wrdreg s2  }
0xa9: {  	[dreg:$0x3] =	wrdreg s4  }
0xaa: {  	[dreg:$0x4] =	wrdreg $0xC0  }
0xab: {  	_ =	task [dreg:s6], $0x5FFFF  }
0xac: {  	[dreg:$0x1] =	wrdreg $0xFFFFFFFF  }
0xad: {  	[dreg:$0x0] =	wrdreg $0x60  }
0xae: {  	[dreg:$0x2] =	wrdreg s24  }
0xaf: {  	[dreg:$0x3] =	wrdreg $0x82000  }
0xb0: {  	[dreg:$0x4] =	wrdreg $0x9  }
0xb1: {  	_ =	task.clear_ibuf [dreg:s6], $0x5FFFF;
	_ =	strace $0x90000049  }
0xb2: {  	s29 =	simm.s32 $0x9;
	_ =	strace $0x8000004B  }
0xb3: {  	_ =	swait.ge [sflag:s29], $0x1  }
0xb4: {  	[sflag:s29] =	ssyncadd.s32 $0xFFFFFFFF  }
0xb5: {  	_ =	strace $0x9000004B  }
0xb6: {  	_ =	sfence  }
0xb7: {  	s30 =	sld [smem:$0x0];
	_ =	sdelay $0x2  }
0xb8: {  	s31 =	sshll.u32 s1, $0xD;
	s1 =	sshrl.u32 s1, $0x2  }
0xb9: {  	s3 =	sand.u32 $0x4000, s31;
	s1 =	sadd.s32 s1, s30  }
0xba: {  	s0 =	sor.u32 s3, s0;
	s1 =	sshll.u32 s1, $0x11  }
0xbb: {  	s0 =	sor.u32 s1, s0  }
0xbc: {  	s0 =	sadd.s32 $0x8F2B, s0  }
0xbd: {  	[sflag:s0] =	ssyncadd.remote.s32 $0x1  }
0xbe: {  	_ =	sfence.sel $0xFFFF  }
0xbf: {  	[dreg:$0x0] =	wrdreg $0xFFFFFFFF;
	(pc) =	sbr.abs _section_cstart, $3  }
0xc0: {  	[dreg:$0x1] =	wrdreg $0xFFFFFFFF  }
0xc1: {  	_ =	task.clear_ibuf [dreg:s6], $0x2FFFF;
	_ =	strace $0x9FFFFFFF  }
0xc2: {  	(tm) =	ssettm $0x7FFFFFFF  }
0xc3: {  	_ =	shalt  }
tec
execute0_lowered:
.L_overlay_start_1:
0x0: {  	(tag) =	ssettag $0x1  }
0x1: {  	s5 =	rddreg [dreg:$0x0]  }
0x2: {  	s2 =	rddreg [dreg:$0x1]  }
0x3: {  	s0 =	rddreg [dreg:$0x2];
	s1 =	stileid.u32  }
0x4: {  	s4 =	srdreg.scid;
	s3 =	simm.s32 $0x0;
	s15 =	simm.s32 $0x200  }
0x5: {  	s16 =	simm.s32 $0x100;
	s17 =	simm.s32 $0x3;
	s6 =	smul.u32 $0x14000, s1  }
0x6: {  	s18 =	simm.s32 $0x2;
	s19 =	simm.s32 $0x0;
	s9 =	smul.u32 $0x50000, s1  }
0x7: {  	s7 =	sand.u32 $0x1, s4;
	[smem:$0x7FF] =	sst s3;
	s12 =	smul.u32 $0x9F00, s1  }
0x8: {  	s4 =	sadd.s32 $0x7C400, s5;
	s11 =	sadd.s32 $0x4800, s5;
	s8 =	smul.u32 $0x140000, s7  }
0x9: {  	s30 =	sshll.u32 s1, $0x6;
	s10 =	smul.u32 $0x9F000, s7;
	s23 =	ssub.s32 $0x2, s7  }
0xa: {  	_ =	strace $0x8000004A;
	s7 =	sshrl.u32 s23, $0x1;
	s24 =	sshrl.u32 s9, $0x2  }
0xb: {  	s8 =	sadd.s32 s6, s8;
	s6 =	sshrl.u32 s6, $0x3;
	s25 =	sadd.s32 s12, s10  }
0xc: {  	s26 =	ssub.s32 s23, s7;
	s28 =	sadd.s32 s24, s2;
	s7 =	sor.u32 $0x1C04, s30  }
0xd: {  	s8 =	sshrl.u32 s8, $0x3;
	s6 =	sadd.s32 s6, s5;
	s29 =	sshrl.u32 s25, $0x3  }
0xe: {  	s14 =	sadd.s32 $0x200, s25;
	s10 =	smax.u32 s26, $0x1;
	s12 =	sshrl.u32 s28, $0x3  }
0xf: {  	s13 =	sadd.s32 s8, s5;
	s5 =	sadd.s32 $0xCC400, s6;
	s6 =	sadd.s32 s11, s29  }
0x10: {  	s31 =	sshrl.u32 s14, $0x3;
	s14 =	simm.s32 $0x80;
	s8 =	sadd.s32 $0x20, s6  }
0x11: {  	s9 =	sadd.s32 $0xF4400, s13;
	s11 =	sadd.s32 s31, s11;
	s13 =	simm.s32 $0x4  }
.LBB2_1:
0x12: {  	[spmem:s12], [sflag:s7] =	dma.local [hbm:s5], $0x2800  }
0x13: {  	_ =	swait.ge [sflag:s13], $0x2800  }
0x14: {  	[sflag:s13] =	ssyncset.done $0x0  }
0x15: {  	[sflag:s13] =	ssyncadd.s32 $0xFFFFD800  }
0x16: {  	[bflag:$0x0] =	sbarrier.arrive $0xFFFF  }
0x17: {  	[tilespmem:s3], [sflag:$0x4] =	stream.linear.gather [hbm4b:s6+s3], $0x100, $0x38;
	[tilespmem:$0x1C200] =	vst v63  }
0x18: {  	_ =	swait.ge [sflag:s13], $0x100  }
0x19: {  	[sflag:s13] =	ssyncset.done $0x0  }
0x1a: {  	[sflag:s13] =	ssyncadd.s32 $0xFFFFFF00  }
0x1b: {  	[tilespmem:s15], [sflag:$0x1] =	stream.indirect.gather [hbm4b:s4+s14], $0x80, s3, s14, $0xb8;
	[tilespmem:$0x1C200] =	vst v63  }
0x1c: {  	_ = 	snop  }
0x1d: {  	[tilespmem:s16], [sflag:$0x3] =	stream.linear.gather [hbm4b:s8+s3], $0x100, $0x38;
	[tilespmem:$0x1C200] =	vst v63  }
0x1e: {  	s20 =	sand.u32 $0x1, s3;
	_ =	swait.ge [sflag:s17], $0x100  }
0x1f: {  	p0 =	seq.s32 s20, $0x1;
	[sflag:s17] =	ssyncset.done $0x0  }
0x20: {  	s20 =	simm.s32 @p0 $0x2;
	[sflag:s17] =	ssyncadd.s32 $0xFFFFFF00  }
0x21: {  	_ =	swait.ge @p0 [sflag:s20], $0x4000  }
0x22: {  	s21 =	simm.s32 @p0 $0x200;
	[sflag:s20] =	ssyncset.done @p0 $0x0  }
0x23: {  	s22 =	simm.s32 @p0 $0x0;
	[sflag:s20] =	ssyncadd.s32 @p0 $0xFFFFC000;
	s20 =	simm.s32 @p0 $0x80  }
0x24: {  	[tilespmem:s21], [sflag:$0x1] =	stream.indirect.gather @p0 [hbm4b:s4+s20], $0x80, s22, s20, $0xb8;
	[tilespmem:$0x1C200] =	vst v63  }
0x25: {  	s23 =	simm.s32 @!p0 $0x1;
	s21 =	simm.s32 @p0 $0x180;
	s22 =	simm.s32 @p0 $0x4200  }
0x26: {  	[spmem:s2] =	stream.indirect.scatter.add.f32 @p0 [tilespmem:s22], [sflag:$0x4], $0x80, s21, s20, $0xb8;
	[tilespmem:$0x1C200] =	vst v63  }
0x27: {  	_ =	swait.ge @!p0 [sflag:s23], $0x4000  }
0x28: {  	s20 =	simm.s32 @!p0 $0x4200;
	[sflag:s23] =	ssyncset.done @!p0 $0x0  }
0x29: {  	s21 =	simm.s32 @!p0 $0x80;
	s22 =	simm.s32 @!p0 $0x100;
	[sflag:s23] =	ssyncadd.s32 @!p0 $0xFFFFC000  }
0x2a: {  	[tilespmem:s20], [sflag:$0x2] =	stream.indirect.gather @!p0 [hbm4b:s4+s21], $0x80, s22, s21, $0xb8;
	[tilespmem:$0x1C200] =	vst v63  }
0x2b: {  	s20 =	simm.s32 @!p0 $0x200  }
0x2c: {  	[spmem:s2] =	stream.indirect.scatter.add.f32 @!p0 [tilespmem:s20], [sflag:$0x4], $0x80, s21, s21, $0xb8;
	[tilespmem:$0x1C200] =	vst v63  }
0x2d: {  	s22 =	simm.s32 @!p0 $0x0;
	_ =	swait.ge [sflag:s13], $0x4000  }
0x2e: {  	s23 =	smov.u32 s11;
	s22 =	simm.s32 @p0 $0x100;
	[sflag:s13] =	ssyncset.done $0x0  }
0x2f: {  	s20 =	simm.s32 $0x1;
	s21 =	sadd.s32 $0x20, s11;
	[sflag:s13] =	ssyncadd.s32 $0xFFFFC000  }
.LBB2_2:
0x30: {  	[tilespmem:s22], [sflag:$0x3] =	stream.linear.gather [hbm4b:s23+s3], $0x100, $0x38;
	[tilespmem:$0x1C200] =	vst v63  }
0x31: {  	s22 =	sand.u32 $0x1, s20;
	s20 =	sadd.s32 $0x1, s20;
	_ =	swait.ge [sflag:s17], $0x100  }
0x32: {  	p1 =	seq.s32 s22, $0x1;
	p0 =	sne.s32 s20, $0x9D;
	[sflag:s17] =	ssyncset.done $0x0  }
0x33: {  	s24 =	simm.s32 @p1 $0x2;
	s22 =	simm.s32 @!p1 $0x0;
	[sflag:s17] =	ssyncadd.s32 $0xFFFFFF00  }
0x34: {  	s23 =	smov.u32 s21;
	s22 =	simm.s32 @p1 $0x100;
	_ =	swait.ge @p1 [sflag:s24], $0x4000  }
0x35: {  	s25 =	simm.s32 @p1 $0x200;
	[sflag:s24] =	ssyncset.done @p1 $0x0  }
0x36: {  	s26 =	simm.s32 @p1 $0x0;
	[sflag:s24] =	ssyncadd.s32 @p1 $0xFFFFC000;
	s24 =	simm.s32 @p1 $0x80  }
0x37: {  	[tilespmem:s25], [sflag:$0x1] =	stream.indirect.gather @p1 [hbm4b:s4+s24], $0x80, s26, s24, $0xb8;
	[tilespmem:$0x1C200] =	vst v63  }
0x38: {  	s28 =	simm.s32 @!p1 $0x1;
	s25 =	simm.s32 @p1 $0x180;
	s26 =	simm.s32 @p1 $0x4200  }
0x39: {  	[spmem:s2] =	stream.indirect.scatter.add.f32 @p1 [tilespmem:s26], [sflag:$0x4], $0x80, s25, s24, $0xb8;
	[tilespmem:$0x1C200] =	vst v63  }
0x3a: {  	_ =	swait.ge @!p1 [sflag:s28], $0x4000  }
0x3b: {  	s24 =	simm.s32 @!p1 $0x4200;
	[sflag:s28] =	ssyncset.done @!p1 $0x0  }
0x3c: {  	s25 =	simm.s32 @!p1 $0x80;
	s26 =	simm.s32 @!p1 $0x100;
	[sflag:s28] =	ssyncadd.s32 @!p1 $0xFFFFC000  }
0x3d: {  	[tilespmem:s24], [sflag:$0x2] =	stream.indirect.gather @!p1 [hbm4b:s4+s25], $0x80, s26, s25, $0xb8;
	[tilespmem:$0x1C200] =	vst v63  }
.Ltmp0:
0x3e: {  	s24 =	simm.s32 @!p1 $0x200;
	(pc) =	sbr.rel @p0 .LBB2_2-.Ltmp0, $4  }
0x3f: {  	[spmem:s2] =	stream.indirect.scatter.add.f32 @!p1 [tilespmem:s24], [sflag:$0x4], $0x80, s25, s25, $0xb8;
	[tilespmem:$0x1C200] =	vst v63  }
0x40: {  	_ =	swait.ge [sflag:s13], $0x4000  }
0x41: {  	[sflag:s13] =	ssyncset.done $0x0  }
0x42: {  	s21 =	sadd.s32 $0x20, s21;
	[sflag:s13] =	ssyncadd.s32 $0xFFFFC000  }
0x43: {  	[tilespmem:s22], [sflag:$0x3] =	stream.linear.gather [hbm4b:s23+s3], $0x100, $0x38;
	[tilespmem:$0x1C200] =	vst v63  }
0x44: {  	_ =	swait.ge [sflag:s18], $0x4000  }
0x45: {  	[sflag:s18] =	ssyncset.done $0x0  }
0x46: {  	[sflag:s18] =	ssyncadd.s32 $0xFFFFC000  }
0x47: {  	_ =	swait.ge [sflag:s17], $0x100  }
0x48: {  	s19 =	sadd.s32 $0x1, s19;
	[sflag:s17] =	ssyncset.done $0x0  }
0x49: {  	p0 =	sne.s32 s19, s10;
	[sflag:s17] =	ssyncadd.s32 $0xFFFFFF00  }
.Ltmp1:
0x4a: {  	[bflag:$0x0] =	sbarrier.arrive $0xFFFF;
	(pc) =	sbr.rel @p0 .LBB2_1-.Ltmp1, $4  }
0x4b: {  	[hbm:s9], [sflag:s7] =	dma.local [spmem:s12], $0x2800  }
0x4c: {  	_ =	swait.ge [sflag:s13], $0x2800  }
0x4d: {  	[sflag:s13] =	ssyncset.done $0x0  }
0x4e: {  	[sflag:s13] =	ssyncadd.s32 $0xFFFFD800  }
0x4f: {  	_ =	sfence.sel $0x180000  }
0x50: {  	[bflag:$0x0] =	sbarrier.arrive $0xFFFF  }
0x51: {  	p0 =	sne.s32 s1, $0x0;
	_ =	strace $0x9000004A  }
0x52: {  	s0 =	sadd.s32 @!p0 $0x100000, s0;
	[bflag:$0x2] =	sbarrier.arrive $0xFFFF  }
0x53: {  	[sflag:s0] =	ssyncadd.tile.s32 @!p0 $0x1;
	_ =	shalt  }
.Lfunc_end2:
_tile_overlayer_lowered:
.L_overlay_start_2:
0x54: {  	(tag) =	ssettag $0x2  }
0x55: {  	s0 =	rddreg [dreg:$0x0];
	s2 =	stileid.u32  }
0x56: {  	s1 =	rddreg [dreg:$0x1];
	p0 =	sne.s32 s2, $0x0  }
0x57: {  	s3 =	rddreg [dreg:$0x2];
	[bflag:$0x3] =	sbarrier.arrive $0xFFFF;
	s2 =	simm.s32 @!p0 $0x1C04  }
0x58: {  	[timem:s3], [sflag:s2] =	dma.local @!p0 [hbm:s0], s1  }
0x59: {  	s0 =	simm.s32 @!p0 $0x4  }
0x5a: {  	_ =	swait.ge @!p0 [sflag:s0], s1  }
0x5b: {  	s1 =	ssub.s32 @!p0 $0x0, s1;
	[sflag:s0] =	ssyncset.done @!p0 $0x0  }
0x5c: {  	[sflag:s0] =	ssyncadd.s32 @!p0 s1  }
0x5d: {  	[bflag:$0x3] =	sbarrier.arrive $0xFFFF  }
0x5e: {  	_ =	shalt  }

// kernel: kernel.16.cloned.1.call-start
scs
__scs_entry_jumppad:
0x0: {  	(pc) =	sbr.rel $0x88, $3  }
0x1: {  	(tag) =	ssettag $0x0;
	lr =	simm.s32 $0x1  }
0x2: {  	[smem:$0x3F85] =	sst lr;
	_ =	strace $0xD0000000  }
0x3: {  	_ = 	snop  }
0x4: {  	_ = 	snop  }
0x5: {  	_ = 	snop  }
0x6: {  	_ = 	snop  }
0x7: {  	_ = 	snop  }
__scs_overlays_trampoline_lowered:
0x8: {  	[smem:$0x3F94] =	sst s0  }
0x9: {  	[smem:$0x3F95] =	sst s1  }
0xa: {  	[smem:$0x3F96] =	sst s2  }
0xb: {  	[smem:$0x3F97] =	sst s3  }
0xc: {  	[smem:$0x3F98] =	sst s4  }
0xd: {  	[smem:$0x3F99] =	sst s5  }
0xe: {  	[smem:$0x3F9A] =	sst s6  }
0xf: {  	[smem:$0x3F9B] =	sst s7  }
0x10: {  	[smem:$0x3F9C] =	sst s8  }
0x11: {  	[smem:$0x3F9D] =	sst s9;
	s0 =	simm.s32 @!p0 $0x0  }
0x12: {  	s1 =	sld [smem:$0x3F83];
	s0 =	simm.s32 @p0 $0x1  }
0x13: {  	[smem:$0x3F9E] =	sst s0;
	s0 =	simm.s32 @!p1 $0x0  }
0x14: {  	s2 =	sld [smem:$0x3F82];
	s0 =	simm.s32 @p1 $0x1  }
0x15: {  	[smem:$0x3F9F] =	sst s0;
	s0 =	simm.s32 @!p2 $0x0  }
0x16: {  	s3 =	sld [smem:$0x3FDB];
	s0 =	simm.s32 @p2 $0x1  }
0x17: {  	s4 =	simm.s32 $0x1BF5;
	[smem:$0x3FA1] =	sst s0  }
0x18: {  	s0 =	sld [smem:$0x3F84];
	_ =	swait.ge [sflag:s4], $0x0  }
0x19: {  	s7 =	sld [smem:$0x3F85]  }
0x1a: {  	s8 =	sadd.s32 $0xFFFFE003, lr  }
0x1b: {  	s9 =	sadd.s32 $0xFFFFFEF7, lr;
	s5 =	simm.s32 $0xFFFFFFFF;
	p2 =	slt.u32 s8, $0xFFFFF086  }
0x1c: {  	p1 =	slt.u32 s9, $0xF7A;
	s5 =	simm.s32 @!p2 $0x0  }
0x1d: {  	s5 =	simm.s32 @p1 $0x1;
	p0 =	seq.s32 s7, s2  }
0x1e: {  	s7 =	smul.u32 @!p0 $0xF7A, s2;
	p2 =	seq.s32 @!p0 s5, $0x0  }
0x1f: {  	s9 =	smul.u32 $0xF7A, s1;
	s8 =	simm.s32 @!p0 $0x1BF5;
	p2 =	por !p2, p0  }
0x20: {  	[sflag:s8] =	ssyncset.s32 @!p0 $0xFFFFF086;
	s6 =	sadd.s32 @!p0 s3, s7;
	s7 =	simm.s32 @!p0 $0x108  }
0x21: {  	s3 =	sadd.s32 s3, s9;
	s6 =	sadd.s32 @!p0 $0x88, s6;
	s7 =	simm.s32 @p2 $0x1082  }
0x22: {  	[simem:s7], [sflag:s8] =	dma.local @!p0 [hbm:s6], $0xF7A  }
0x23: {  	s9 =	sor.u32 $0xD0000000, s2;
	s6 =	simm.s32 $0x108;
	_ =	swait.ge @!p0 [sflag:s8], $0x0  }
0x24: {  	s3 =	sadd.s32 $0x88, s3;
	s6 =	simm.s32 @!p1 $0x1082;
	[sflag:s4] =	ssyncset.s32 $0xFFFFF086  }
0x25: {  	[simem:s6], [sflag:s4] =	dma.local [hbm:s3], $0xF7A  }
0x26: {  	[smem:$0x3F85] =	sst s1;
	(tag) =	ssettag s2;
	_ =	strace s9  }
0x27: {  	s1 =	sld [smem:$0x3F95]  }
0x28: {  	s2 =	sld [smem:$0x3F96]  }
0x29: {  	s4 =	sld [smem:$0x3F98]  }
0x2a: {  	p0 =	seq.s32 s5, $0x0;
	s5 =	sld [smem:$0x3F99]  }
0x2b: {  	s6 =	sld [smem:$0x3F9A]  }
0x2c: {  	s7 =	sld [smem:$0x3F9B]  }
0x2d: {  	s3 =	simm.s32 $0x108;
	s8 =	sld [smem:$0x3F9C]  }
0x2e: {  	s3 =	simm.s32 @!p0 $0x1082;
	s9 =	sld [smem:$0x3F9D]  }
0x2f: {  	lr =	sadd.s32 s0, s3;
	s0 =	sld [smem:$0x3F94]  }
0x30: {  	s3 =	sld [smem:$0x3F97]  }
0x31: {  	[smem:$0x3FA0] =	sst s10  }
0x32: {  	s10 =	sld [smem:$0x3F9E];
	_ =	sdelay $0x3  }
0x33: {  	p0 =	seq.s32 s10, $0x1;
	s10 =	sld [smem:$0x3FA0];
	_ =	sdelay $0x3  }
0x34: {  	[smem:$0x3FA0] =	sst s10  }
0x35: {  	s10 =	sld [smem:$0x3F9F];
	_ =	sdelay $0x3  }
0x36: {  	p1 =	seq.s32 s10, $0x1;
	s10 =	sld [smem:$0x3FA0];
	_ =	sdelay $0x3  }
0x37: {  	[smem:$0x3FA0] =	sst s10  }
0x38: {  	s10 =	sld [smem:$0x3FA1]  }
0x39: {  	_ = 	snop;
	(pc) =	sbr.ind lr, $3  }
0x3a: {  	_ = 	snop  }
0x3b: {  	_ = 	snop  }
0x3c: {  	p2 =	seq.s32 s10, $0x1;
	s10 =	sld [smem:$0x3FA0]  }
0x3d: {  	_ =	shalt  }
0x3e: {  	_ =	shalt  }
0x3f: {  	_ =	shalt  }
0x40: {  	_ =	shalt  }
0x41: {  	_ =	shalt  }
0x42: {  	_ =	shalt  }
0x43: {  	_ =	shalt  }
0x44: {  	_ =	shalt  }
0x45: {  	_ =	shalt  }
0x46: {  	_ =	shalt  }
0x47: {  	_ =	shalt  }
0x48: {  	_ =	shalt  }
0x49: {  	_ =	shalt  }
0x4a: {  	_ =	shalt  }
0x4b: {  	_ =	shalt  }
0x4c: {  	_ =	shalt  }
0x4d: {  	_ =	shalt  }
0x4e: {  	_ =	shalt  }
0x4f: {  	_ =	shalt  }
0x50: {  	_ =	shalt  }
0x51: {  	_ =	shalt  }
0x52: {  	_ =	shalt  }
0x53: {  	_ =	shalt  }
0x54: {  	_ =	shalt  }
0x55: {  	_ =	shalt  }
0x56: {  	_ =	shalt  }
0x57: {  	_ =	shalt  }
0x58: {  	_ =	shalt  }
0x59: {  	_ =	shalt  }
0x5a: {  	_ =	shalt  }
0x5b: {  	_ =	shalt  }
0x5c: {  	_ =	shalt  }
0x5d: {  	_ =	shalt  }
0x5e: {  	_ =	shalt  }
0x5f: {  	_ =	shalt  }
0x60: {  	_ =	shalt  }
0x61: {  	_ =	shalt  }
0x62: {  	_ =	shalt  }
0x63: {  	_ =	shalt  }
0x64: {  	_ =	shalt  }
0x65: {  	_ =	shalt  }
0x66: {  	_ =	shalt  }
0x67: {  	_ =	shalt  }
0x68: {  	_ =	shalt  }
0x69: {  	_ =	shalt  }
0x6a: {  	_ =	shalt  }
0x6b: {  	_ =	shalt  }
0x6c: {  	_ =	shalt  }
0x6d: {  	_ =	shalt  }
0x6e: {  	_ =	shalt  }
0x6f: {  	_ =	shalt  }
0x70: {  	_ =	shalt  }
0x71: {  	_ =	shalt  }
0x72: {  	_ =	shalt  }
0x73: {  	_ =	shalt  }
0x74: {  	_ =	shalt  }
0x75: {  	_ =	shalt  }
0x76: {  	_ =	shalt  }
0x77: {  	_ =	shalt  }
0x78: {  	_ =	shalt  }
0x79: {  	_ =	shalt  }
0x7a: {  	_ =	shalt  }
0x7b: {  	_ =	shalt  }
0x7c: {  	_ =	shalt  }
0x7d: {  	_ =	shalt  }
0x7e: {  	_ =	shalt  }
0x7f: {  	_ =	shalt  }
0x80: {  	_ =	shalt  }
0x81: {  	_ =	shalt  }
0x82: {  	_ =	shalt  }
0x83: {  	_ =	shalt  }
0x84: {  	_ =	shalt  }
0x85: {  	_ =	shalt  }
0x86: {  	_ =	shalt  }
0x87: {  	_ =	shalt  }
.Lfunc_end0:
.L_simem_size_0:
called_computation.2_lowered:
.L_overlay_start_0:
0x88: {  	s2 =	sld [smem:$0x3FD9]  }
0x89: {  	s3 =	sld [smem:$0x3FFE];
	_ =	sdelay $0x1  }
0x8a: {  	s1 =	srdreg.scid  }
0x8b: {  	s0 =	sand.u32 $0x1, s1  }
0x8c: {  	s16 =	sshll.u32 s0, $0xA;
	s2 =	sadd.s32 s3, s2  }
0x8d: {  	s2 =	sadd.s32 s2, s16  }
0x8e: {  	[smem:$0x3FAC] =	sst s2  }
0x8f: {  	_ = 	snop  }
0x90: {  	(tm) =	ssettm $0x1  }
0x91: {  	s17 =	sld [smem:$0x3FFB];
	_ =	sdelay $0x3  }
0x92: {  	_ =	strace s17  }
0x93: {  	s2 =	sld [smem:$0x3FFC];
	_ =	sdelay $0x3  }
0x94: {  	_ =	strace s2  }
0x95: {  	s2 =	sld [smem:$0x3FFD];
	_ =	sdelay $0x3  }
0x96: {  	_ =	strace s2  }
0x97: {  	_ =	strace $0x8FFFFFFF  }
0x98: {  	s18 =	sld [smem:$0x3FDB];
	_ =	sdelay $0x1  }
0x99: {  	s19 =	simm.s32 $_scs_section_size  }
0x9a: {  	s4 =	simm.s32 $_size__tile_overlayer_lowered;
	s5 =	simm.s32 $_tile_overlayer_lowered  }
0x9b: {  	s22 =	simm.s32 $0x1BFF;
	s21 =	sshll.u32 s5, $0x1;
	s2 =	sadd.s32 s19, s18  }
0x9c: {  	s6 =	simm.s32 $0x0;
	s20 =	sshll.u32 s4, $0x1;
	s4 =	sadd.s32 s21, s2  }
0x9d: {  	[timem:s6], [sflag:s22] =	dma.local [hbm:s4], s20  }
0x9e: {  	_ =	swait.ge [sflag:s22], s20  }
0x9f: {  	s3 =	ssub.s32 $0x0, s20;
	[sflag:s22] =	ssyncset.done $0x0  }
0xa0: {  	[sflag:s22] =	ssyncadd.s32 s3;
	_ =	sdelay $0x1  }
0xa1: {  	s23 =	simm.s32 $0x1B8B  }
0xa2: {  	_ =	swait.ge [sflag:s23], $0x1  }
0xa3: {  	[sflag:s23] =	ssyncset.done $0x0  }
0xa4: {  	s25 =	simm.s32 $0x1B8E;
	s24 =	sld [smem:$0x3FFE];
	[sflag:s23] =	ssyncadd.s32 $0xFFFFFFFF  }
0xa5: {  	s26 =	simm.s32 $execute0_lowered;
	[smem:$0x3FD2] =	sst s25  }
0xa6: {  	s4 =	sshll.u32 s26, $0x1;
	_ =	strace $0x8000004C;
	[dreg:$0x1] =	wrdreg $0xFFFFFFFF  }
0xa7: {  	s28 =	simm.s32 $_size_execute0_lowered;
	s2 =	sadd.s32 s2, s4;
	[dreg:$0x0] =	wrdreg $0x0  }
0xa8: {  	s4 =	sshll.u32 s28, $0x1;
	[dreg:$0x2] =	wrdreg s2  }
0xa9: {  	[dreg:$0x3] =	wrdreg s4  }
0xaa: {  	[dreg:$0x4] =	wrdreg $0xC0  }
0xab: {  	_ =	task [dreg:s6], $0x5FFFF  }
0xac: {  	[dreg:$0x1] =	wrdreg $0xFFFFFFFF  }
0xad: {  	[dreg:$0x0] =	wrdreg $0x60  }
0xae: {  	[dreg:$0x2] =	wrdreg s24  }
0xaf: {  	[dreg:$0x3] =	wrdreg $0x82000  }
0xb0: {  	[dreg:$0x4] =	wrdreg $0x9  }
0xb1: {  	_ =	task.clear_ibuf [dreg:s6], $0x5FFFF;
	_ =	strace $0x9000004C  }
0xb2: {  	s29 =	simm.s32 $0x9;
	_ =	strace $0x8000004E  }
0xb3: {  	_ =	swait.ge [sflag:s29], $0x1  }
0xb4: {  	[sflag:s29] =	ssyncadd.s32 $0xFFFFFFFF  }
0xb5: {  	_ =	strace $0x9000004E  }
0xb6: {  	_ =	sfence  }
0xb7: {  	s30 =	sld [smem:$0x0];
	_ =	sdelay $0x2  }
0xb8: {  	s31 =	sshll.u32 s1, $0xD;
	s1 =	sshrl.u32 s1, $0x2  }
0xb9: {  	s3 =	sand.u32 $0x4000, s31;
	s1 =	sadd.s32 s1, s30  }
0xba: {  	s0 =	sor.u32 s3, s0;
	s1 =	sshll.u32 s1, $0x11  }
0xbb: {  	s0 =	sor.u32 s1, s0  }
0xbc: {  	s0 =	sadd.s32 $0x8F2B, s0  }
0xbd: {  	[sflag:s0] =	ssyncadd.remote.s32 $0x1  }
0xbe: {  	_ =	sfence.sel $0xFFFF  }
0xbf: {  	[dreg:$0x0] =	wrdreg $0xFFFFFFFF;
	(pc) =	sbr.abs _section_cstart, $3  }
0xc0: {  	[dreg:$0x1] =	wrdreg $0xFFFFFFFF  }
0xc1: {  	_ =	task.clear_ibuf [dreg:s6], $0x2FFFF;
	_ =	strace $0x9FFFFFFF  }
0xc2: {  	(tm) =	ssettm $0x7FFFFFFF  }
0xc3: {  	_ =	shalt  }
tec
execute0_lowered:
.L_overlay_start_1:
0x0: {  	(tag) =	ssettag $0x1  }
0x1: {  	s5 =	rddreg [dreg:$0x0]  }
0x2: {  	s2 =	rddreg [dreg:$0x1]  }
0x3: {  	s0 =	rddreg [dreg:$0x2];
	s1 =	stileid.u32  }
0x4: {  	s4 =	srdreg.scid;
	s3 =	simm.s32 $0x0;
	s15 =	simm.s32 $0x200  }
0x5: {  	s16 =	simm.s32 $0x100;
	s17 =	simm.s32 $0x3;
	s6 =	smul.u32 $0x14000, s1  }
0x6: {  	s18 =	simm.s32 $0x2;
	s19 =	simm.s32 $0x0;
	s9 =	smul.u32 $0x50000, s1  }
0x7: {  	s7 =	sand.u32 $0x1, s4;
	[smem:$0x7FF] =	sst s3;
	s12 =	smul.u32 $0x9F00, s1  }
0x8: {  	s4 =	sadd.s32 $0x7C400, s5;
	s11 =	sadd.s32 $0x4800, s5;
	s8 =	smul.u32 $0x140000, s7  }
0x9: {  	s30 =	sshll.u32 s1, $0x6;
	s10 =	smul.u32 $0x9F000, s7;
	s23 =	ssub.s32 $0x2, s7  }
0xa: {  	_ =	strace $0x8000004D;
	s7 =	sshrl.u32 s23, $0x1;
	s24 =	sshrl.u32 s9, $0x2  }
0xb: {  	s8 =	sadd.s32 s6, s8;
	s6 =	sshrl.u32 s6, $0x3;
	s25 =	sadd.s32 s12, s10  }
0xc: {  	s26 =	ssub.s32 s23, s7;
	s28 =	sadd.s32 s24, s2;
	s7 =	sor.u32 $0x1C04, s30  }
0xd: {  	s8 =	sshrl.u32 s8, $0x3;
	s6 =	sadd.s32 s6, s5;
	s29 =	sshrl.u32 s25, $0x3  }
0xe: {  	s14 =	sadd.s32 $0x200, s25;
	s10 =	smax.u32 s26, $0x1;
	s12 =	sshrl.u32 s28, $0x3  }
0xf: {  	s13 =	sadd.s32 s8, s5;
	s5 =	sadd.s32 $0xCC400, s6;
	s6 =	sadd.s32 s11, s29  }
0x10: {  	s31 =	sshrl.u32 s14, $0x3;
	s14 =	simm.s32 $0x80;
	s8 =	sadd.s32 $0x20, s6  }
0x11: {  	s9 =	sadd.s32 $0xF4400, s13;
	s11 =	sadd.s32 s31, s11;
	s13 =	simm.s32 $0x4  }
.LBB2_1:
0x12: {  	[spmem:s12], [sflag:s7] =	dma.local [hbm:s5], $0x2800  }
0x13: {  	_ =	swait.ge [sflag:s13], $0x2800  }
0x14: {  	[sflag:s13] =	ssyncset.done $0x0  }
0x15: {  	[sflag:s13] =	ssyncadd.s32 $0xFFFFD800  }
0x16: {  	[bflag:$0x0] =	sbarrier.arrive $0xFFFF  }
0x17: {  	[tilespmem:s3], [sflag:$0x4] =	stream.linear.gather [hbm4b:s6+s3], $0x100, $0x38;
	[tilespmem:$0x1C200] =	vst v63  }
0x18: {  	_ =	swait.ge [sflag:s13], $0x100  }
0x19: {  	[sflag:s13] =	ssyncset.done $0x0  }
0x1a: {  	[sflag:s13] =	ssyncadd.s32 $0xFFFFFF00  }
0x1b: {  	[tilespmem:s15], [sflag:$0x1] =	stream.indirect.gather [hbm4b:s4+s14], $0x80, s3, s14, $0xb8;
	[tilespmem:$0x1C200] =	vst v63  }
0x1c: {  	_ = 	snop  }
0x1d: {  	[tilespmem:s16], [sflag:$0x3] =	stream.linear.gather [hbm4b:s8+s3], $0x100, $0x38;
	[tilespmem:$0x1C200] =	vst v63  }
0x1e: {  	s20 =	sand.u32 $0x1, s3;
	_ =	swait.ge [sflag:s17], $0x100  }
0x1f: {  	p0 =	seq.s32 s20, $0x1;
	[sflag:s17] =	ssyncset.done $0x0  }
0x20: {  	s20 =	simm.s32 @p0 $0x2;
	[sflag:s17] =	ssyncadd.s32 $0xFFFFFF00  }
0x21: {  	_ =	swait.ge @p0 [sflag:s20], $0x4000  }
0x22: {  	s21 =	simm.s32 @p0 $0x200;
	[sflag:s20] =	ssyncset.done @p0 $0x0  }
0x23: {  	s22 =	simm.s32 @p0 $0x0;
	[sflag:s20] =	ssyncadd.s32 @p0 $0xFFFFC000;
	s20 =	simm.s32 @p0 $0x80  }
0x24: {  	[tilespmem:s21], [sflag:$0x1] =	stream.indirect.gather @p0 [hbm4b:s4+s20], $0x80, s22, s20, $0xb8;
	[tilespmem:$0x1C200] =	vst v63  }
0x25: {  	s23 =	simm.s32 @!p0 $0x1;
	s21 =	simm.s32 @p0 $0x180;
	s22 =	simm.s32 @p0 $0x4200  }
0x26: {  	[spmem:s2] =	stream.indirect.scatter.add.f32 @p0 [tilespmem:s22], [sflag:$0x4], $0x80, s21, s20, $0xb8;
	[tilespmem:$0x1C200] =	vst v63  }
0x27: {  	_ =	swait.ge @!p0 [sflag:s23], $0x4000  }
0x28: {  	s20 =	simm.s32 @!p0 $0x4200;
	[sflag:s23] =	ssyncset.done @!p0 $0x0  }
0x29: {  	s21 =	simm.s32 @!p0 $0x80;
	s22 =	simm.s32 @!p0 $0x100;
	[sflag:s23] =	ssyncadd.s32 @!p0 $0xFFFFC000  }
0x2a: {  	[tilespmem:s20], [sflag:$0x2] =	stream.indirect.gather @!p0 [hbm4b:s4+s21], $0x80, s22, s21, $0xb8;
	[tilespmem:$0x1C200] =	vst v63  }
0x2b: {  	s20 =	simm.s32 @!p0 $0x200  }
0x2c: {  	[spmem:s2] =	stream.indirect.scatter.add.f32 @!p0 [tilespmem:s20], [sflag:$0x4], $0x80, s21, s21, $0xb8;
	[tilespmem:$0x1C200] =	vst v63  }
0x2d: {  	s22 =	simm.s32 @!p0 $0x0;
	_ =	swait.ge [sflag:s13], $0x4000  }
0x2e: {  	s23 =	smov.u32 s11;
	s22 =	simm.s32 @p0 $0x100;
	[sflag:s13] =	ssyncset.done $0x0  }
0x2f: {  	s20 =	simm.s32 $0x1;
	s21 =	sadd.s32 $0x20, s11;
	[sflag:s13] =	ssyncadd.s32 $0xFFFFC000  }
.LBB2_2:
0x30: {  	[tilespmem:s22], [sflag:$0x3] =	stream.linear.gather [hbm4b:s23+s3], $0x100, $0x38;
	[tilespmem:$0x1C200] =	vst v63  }
0x31: {  	s22 =	sand.u32 $0x1, s20;
	s20 =	sadd.s32 $0x1, s20;
	_ =	swait.ge [sflag:s17], $0x100  }
0x32: {  	p1 =	seq.s32 s22, $0x1;
	p0 =	sne.s32 s20, $0x9D;
	[sflag:s17] =	ssyncset.done $0x0  }
0x33: {  	s24 =	simm.s32 @p1 $0x2;
	s22 =	simm.s32 @!p1 $0x0;
	[sflag:s17] =	ssyncadd.s32 $0xFFFFFF00  }
0x34: {  	s23 =	smov.u32 s21;
	s22 =	simm.s32 @p1 $0x100;
	_ =	swait.ge @p1 [sflag:s24], $0x4000  }
0x35: {  	s25 =	simm.s32 @p1 $0x200;
	[sflag:s24] =	ssyncset.done @p1 $0x0  }
0x36: {  	s26 =	simm.s32 @p1 $0x0;
	[sflag:s24] =	ssyncadd.s32 @p1 $0xFFFFC000;
	s24 =	simm.s32 @p1 $0x80  }
0x37: {  	[tilespmem:s25], [sflag:$0x1] =	stream.indirect.gather @p1 [hbm4b:s4+s24], $0x80, s26, s24, $0xb8;
	[tilespmem:$0x1C200] =	vst v63  }
0x38: {  	s28 =	simm.s32 @!p1 $0x1;
	s25 =	simm.s32 @p1 $0x180;
	s26 =	simm.s32 @p1 $0x4200  }
0x39: {  	[spmem:s2] =	stream.indirect.scatter.add.f32 @p1 [tilespmem:s26], [sflag:$0x4], $0x80, s25, s24, $0xb8;
	[tilespmem:$0x1C200] =	vst v63  }
0x3a: {  	_ =	swait.ge @!p1 [sflag:s28], $0x4000  }
0x3b: {  	s24 =	simm.s32 @!p1 $0x4200;
	[sflag:s28] =	ssyncset.done @!p1 $0x0  }
0x3c: {  	s25 =	simm.s32 @!p1 $0x80;
	s26 =	simm.s32 @!p1 $0x100;
	[sflag:s28] =	ssyncadd.s32 @!p1 $0xFFFFC000  }
0x3d: {  	[tilespmem:s24], [sflag:$0x2] =	stream.indirect.gather @!p1 [hbm4b:s4+s25], $0x80, s26, s25, $0xb8;
	[tilespmem:$0x1C200] =	vst v63  }
.Ltmp0:
0x3e: {  	s24 =	simm.s32 @!p1 $0x200;
	(pc) =	sbr.rel @p0 .LBB2_2-.Ltmp0, $4  }
0x3f: {  	[spmem:s2] =	stream.indirect.scatter.add.f32 @!p1 [tilespmem:s24], [sflag:$0x4], $0x80, s25, s25, $0xb8;
	[tilespmem:$0x1C200] =	vst v63  }
0x40: {  	_ =	swait.ge [sflag:s13], $0x4000  }
0x41: {  	[sflag:s13] =	ssyncset.done $0x0  }
0x42: {  	s21 =	sadd.s32 $0x20, s21;
	[sflag:s13] =	ssyncadd.s32 $0xFFFFC000  }
0x43: {  	[tilespmem:s22], [sflag:$0x3] =	stream.linear.gather [hbm4b:s23+s3], $0x100, $0x38;
	[tilespmem:$0x1C200] =	vst v63  }
0x44: {  	_ =	swait.ge [sflag:s18], $0x4000  }
0x45: {  	[sflag:s18] =	ssyncset.done $0x0  }
0x46: {  	[sflag:s18] =	ssyncadd.s32 $0xFFFFC000  }
0x47: {  	_ =	swait.ge [sflag:s17], $0x100  }
0x48: {  	s19 =	sadd.s32 $0x1, s19;
	[sflag:s17] =	ssyncset.done $0x0  }
0x49: {  	p0 =	sne.s32 s19, s10;
	[sflag:s17] =	ssyncadd.s32 $0xFFFFFF00  }
.Ltmp1:
0x4a: {  	[bflag:$0x0] =	sbarrier.arrive $0xFFFF;
	(pc) =	sbr.rel @p0 .LBB2_1-.Ltmp1, $4  }
0x4b: {  	[hbm:s9], [sflag:s7] =	dma.local [spmem:s12], $0x2800  }
0x4c: {  	_ =	swait.ge [sflag:s13], $0x2800  }
0x4d: {  	[sflag:s13] =	ssyncset.done $0x0  }
0x4e: {  	[sflag:s13] =	ssyncadd.s32 $0xFFFFD800  }
0x4f: {  	_ =	sfence.sel $0x180000  }
0x50: {  	[bflag:$0x0] =	sbarrier.arrive $0xFFFF  }
0x51: {  	p0 =	sne.s32 s1, $0x0;
	_ =	strace $0x9000004D  }
0x52: {  	s0 =	sadd.s32 @!p0 $0x100000, s0;
	[bflag:$0x2] =	sbarrier.arrive $0xFFFF  }
0x53: {  	[sflag:s0] =	ssyncadd.tile.s32 @!p0 $0x1;
	_ =	shalt  }
.Lfunc_end2:
_tile_overlayer_lowered:
.L_overlay_start_2:
0x54: {  	(tag) =	ssettag $0x2  }
0x55: {  	s0 =	rddreg [dreg:$0x0];
	s2 =	stileid.u32  }
0x56: {  	s1 =	rddreg [dreg:$0x1];
	p0 =	sne.s32 s2, $0x0  }
0x57: {  	s3 =	rddreg [dreg:$0x2];
	[bflag:$0x3] =	sbarrier.arrive $0xFFFF;
	s2 =	simm.s32 @!p0 $0x1C04  }
0x58: {  	[timem:s3], [sflag:s2] =	dma.local @!p0 [hbm:s0], s1  }
0x59: {  	s0 =	simm.s32 @!p0 $0x4  }
0x5a: {  	_ =	swait.ge @!p0 [sflag:s0], s1  }
0x5b: {  	s1 =	ssub.s32 @!p0 $0x0, s1;
	[sflag:s0] =	ssyncset.done @!p0 $0x0  }
0x5c: {  	[sflag:s0] =	ssyncadd.s32 @!p0 s1  }
0x5d: {  	[bflag:$0x3] =	sbarrier.arrive $0xFFFF  }
0x5e: {  	_ =	shalt  }

// kernel: kernel.19.cloned.1.call-start
scs
__scs_entry_jumppad:
0x0: {  	(pc) =	sbr.rel $0x88, $3  }
0x1: {  	(tag) =	ssettag $0x0;
	lr =	simm.s32 $0x1  }
0x2: {  	[smem:$0x3F85] =	sst lr;
	_ =	strace $0xD0000000  }
0x3: {  	_ = 	snop  }
0x4: {  	_ = 	snop  }
0x5: {  	_ = 	snop  }
0x6: {  	_ = 	snop  }
0x7: {  	_ = 	snop  }
__scs_overlays_trampoline_lowered:
0x8: {  	[smem:$0x3F94] =	sst s0  }
0x9: {  	[smem:$0x3F95] =	sst s1  }
0xa: {  	[smem:$0x3F96] =	sst s2  }
0xb: {  	[smem:$0x3F97] =	sst s3  }
0xc: {  	[smem:$0x3F98] =	sst s4  }
0xd: {  	[smem:$0x3F99] =	sst s5  }
0xe: {  	[smem:$0x3F9A] =	sst s6  }
0xf: {  	[smem:$0x3F9B] =	sst s7  }
0x10: {  	[smem:$0x3F9C] =	sst s8  }
0x11: {  	[smem:$0x3F9D] =	sst s9;
	s0 =	simm.s32 @!p0 $0x0  }
0x12: {  	s1 =	sld [smem:$0x3F83];
	s0 =	simm.s32 @p0 $0x1  }
0x13: {  	[smem:$0x3F9E] =	sst s0;
	s0 =	simm.s32 @!p1 $0x0  }
0x14: {  	s2 =	sld [smem:$0x3F82];
	s0 =	simm.s32 @p1 $0x1  }
0x15: {  	[smem:$0x3F9F] =	sst s0;
	s0 =	simm.s32 @!p2 $0x0  }
0x16: {  	s3 =	sld [smem:$0x3FDB];
	s0 =	simm.s32 @p2 $0x1  }
0x17: {  	s4 =	simm.s32 $0x1BF5;
	[smem:$0x3FA1] =	sst s0  }
0x18: {  	s0 =	sld [smem:$0x3F84];
	_ =	swait.ge [sflag:s4], $0x0  }
0x19: {  	s7 =	sld [smem:$0x3F85]  }
0x1a: {  	s8 =	sadd.s32 $0xFFFFE003, lr  }
0x1b: {  	s9 =	sadd.s32 $0xFFFFFEF7, lr;
	s5 =	simm.s32 $0xFFFFFFFF;
	p2 =	slt.u32 s8, $0xFFFFF086  }
0x1c: {  	p1 =	slt.u32 s9, $0xF7A;
	s5 =	simm.s32 @!p2 $0x0  }
0x1d: {  	s5 =	simm.s32 @p1 $0x1;
	p0 =	seq.s32 s7, s2  }
0x1e: {  	s7 =	smul.u32 @!p0 $0xF7A, s2;
	p2 =	seq.s32 @!p0 s5, $0x0  }
0x1f: {  	s9 =	smul.u32 $0xF7A, s1;
	s8 =	simm.s32 @!p0 $0x1BF5;
	p2 =	por !p2, p0  }
0x20: {  	[sflag:s8] =	ssyncset.s32 @!p0 $0xFFFFF086;
	s6 =	sadd.s32 @!p0 s3, s7;
	s7 =	simm.s32 @!p0 $0x108  }
0x21: {  	s3 =	sadd.s32 s3, s9;
	s6 =	sadd.s32 @!p0 $0x88, s6;
	s7 =	simm.s32 @p2 $0x1082  }
0x22: {  	[simem:s7], [sflag:s8] =	dma.local @!p0 [hbm:s6], $0xF7A  }
0x23: {  	s9 =	sor.u32 $0xD0000000, s2;
	s6 =	simm.s32 $0x108;
	_ =	swait.ge @!p0 [sflag:s8], $0x0  }
0x24: {  	s3 =	sadd.s32 $0x88, s3;
	s6 =	simm.s32 @!p1 $0x1082;
	[sflag:s4] =	ssyncset.s32 $0xFFFFF086  }
0x25: {  	[simem:s6], [sflag:s4] =	dma.local [hbm:s3], $0xF7A  }
0x26: {  	[smem:$0x3F85] =	sst s1;
	(tag) =	ssettag s2;
	_ =	strace s9  }
0x27: {  	s1 =	sld [smem:$0x3F95]  }
0x28: {  	s2 =	sld [smem:$0x3F96]  }
0x29: {  	s4 =	sld [smem:$0x3F98]  }
0x2a: {  	p0 =	seq.s32 s5, $0x0;
	s5 =	sld [smem:$0x3F99]  }
0x2b: {  	s6 =	sld [smem:$0x3F9A]  }
0x2c: {  	s7 =	sld [smem:$0x3F9B]  }
0x2d: {  	s3 =	simm.s32 $0x108;
	s8 =	sld [smem:$0x3F9C]  }
0x2e: {  	s3 =	simm.s32 @!p0 $0x1082;
	s9 =	sld [smem:$0x3F9D]  }
0x2f: {  	lr =	sadd.s32 s0, s3;
	s0 =	sld [smem:$0x3F94]  }
0x30: {  	s3 =	sld [smem:$0x3F97]  }
0x31: {  	[smem:$0x3FA0] =	sst s10  }
0x32: {  	s10 =	sld [smem:$0x3F9E];
	_ =	sdelay $0x3  }
0x33: {  	p0 =	seq.s32 s10, $0x1;
	s10 =	sld [smem:$0x3FA0];
	_ =	sdelay $0x3  }
0x34: {  	[smem:$0x3FA0] =	sst s10  }
0x35: {  	s10 =	sld [smem:$0x3F9F];
	_ =	sdelay $0x3  }
0x36: {  	p1 =	seq.s32 s10, $0x1;
	s10 =	sld [smem:$0x3FA0];
	_ =	sdelay $0x3  }
0x37: {  	[smem:$0x3FA0] =	sst s10  }
0x38: {  	s10 =	sld [smem:$0x3FA1]  }
0x39: {  	_ = 	snop;
	(pc) =	sbr.ind lr, $3  }
0x3a: {  	_ = 	snop  }
0x3b: {  	_ = 	snop  }
0x3c: {  	p2 =	seq.s32 s10, $0x1;
	s10 =	sld [smem:$0x3FA0]  }
0x3d: {  	_ =	shalt  }
0x3e: {  	_ =	shalt  }
0x3f: {  	_ =	shalt  }
0x40: {  	_ =	shalt  }
0x41: {  	_ =	shalt  }
0x42: {  	_ =	shalt  }
0x43: {  	_ =	shalt  }
0x44: {  	_ =	shalt  }
0x45: {  	_ =	shalt  }
0x46: {  	_ =	shalt  }
0x47: {  	_ =	shalt  }
0x48: {  	_ =	shalt  }
0x49: {  	_ =	shalt  }
0x4a: {  	_ =	shalt  }
0x4b: {  	_ =	shalt  }
0x4c: {  	_ =	shalt  }
0x4d: {  	_ =	shalt  }
0x4e: {  	_ =	shalt  }
0x4f: {  	_ =	shalt  }
0x50: {  	_ =	shalt  }
0x51: {  	_ =	shalt  }
0x52: {  	_ =	shalt  }
0x53: {  	_ =	shalt  }
0x54: {  	_ =	shalt  }
0x55: {  	_ =	shalt  }
0x56: {  	_ =	shalt  }
0x57: {  	_ =	shalt  }
0x58: {  	_ =	shalt  }
0x59: {  	_ =	shalt  }
0x5a: {  	_ =	shalt  }
0x5b: {  	_ =	shalt  }
0x5c: {  	_ =	shalt  }
0x5d: {  	_ =	shalt  }
0x5e: {  	_ =	shalt  }
0x5f: {  	_ =	shalt  }
0x60: {  	_ =	shalt  }
0x61: {  	_ =	shalt  }
0x62: {  	_ =	shalt  }
0x63: {  	_ =	shalt  }
0x64: {  	_ =	shalt  }
0x65: {  	_ =	shalt  }
0x66: {  	_ =	shalt  }
0x67: {  	_ =	shalt  }
0x68: {  	_ =	shalt  }
0x69: {  	_ =	shalt  }
0x6a: {  	_ =	shalt  }
0x6b: {  	_ =	shalt  }
0x6c: {  	_ =	shalt  }
0x6d: {  	_ =	shalt  }
0x6e: {  	_ =	shalt  }
0x6f: {  	_ =	shalt  }
0x70: {  	_ =	shalt  }
0x71: {  	_ =	shalt  }
0x72: {  	_ =	shalt  }
0x73: {  	_ =	shalt  }
0x74: {  	_ =	shalt  }
0x75: {  	_ =	shalt  }
0x76: {  	_ =	shalt  }
0x77: {  	_ =	shalt  }
0x78: {  	_ =	shalt  }
0x79: {  	_ =	shalt  }
0x7a: {  	_ =	shalt  }
0x7b: {  	_ =	shalt  }
0x7c: {  	_ =	shalt  }
0x7d: {  	_ =	shalt  }
0x7e: {  	_ =	shalt  }
0x7f: {  	_ =	shalt  }
0x80: {  	_ =	shalt  }
0x81: {  	_ =	shalt  }
0x82: {  	_ =	shalt  }
0x83: {  	_ =	shalt  }
0x84: {  	_ =	shalt  }
0x85: {  	_ =	shalt  }
0x86: {  	_ =	shalt  }
0x87: {  	_ =	shalt  }
.Lfunc_end0:
.L_simem_size_0:
called_computation.3_lowered:
.L_overlay_start_0:
0x88: {  	s2 =	sld [smem:$0x3FD9]  }
0x89: {  	s3 =	sld [smem:$0x3FFE];
	_ =	sdelay $0x1  }
0x8a: {  	s1 =	srdreg.scid  }
0x8b: {  	s0 =	sand.u32 $0x1, s1  }
0x8c: {  	s16 =	sshll.u32 s0, $0xA;
	s2 =	sadd.s32 s3, s2  }
0x8d: {  	s2 =	sadd.s32 s2, s16  }
0x8e: {  	[smem:$0x3FAC] =	sst s2  }
0x8f: {  	_ = 	snop  }
0x90: {  	(tm) =	ssettm $0x1  }
0x91: {  	s17 =	sld [smem:$0x3FFB];
	_ =	sdelay $0x3  }
0x92: {  	_ =	strace s17  }
0x93: {  	s2 =	sld [smem:$0x3FFC];
	_ =	sdelay $0x3  }
0x94: {  	_ =	strace s2  }
0x95: {  	s2 =	sld [smem:$0x3FFD];
	_ =	sdelay $0x3  }
0x96: {  	_ =	strace s2  }
0x97: {  	_ =	strace $0x8FFFFFFF  }
0x98: {  	s18 =	sld [smem:$0x3FDB];
	_ =	sdelay $0x1  }
0x99: {  	s19 =	simm.s32 $_scs_section_size  }
0x9a: {  	s4 =	simm.s32 $_size__tile_overlayer_lowered;
	s5 =	simm.s32 $_tile_overlayer_lowered  }
0x9b: {  	s22 =	simm.s32 $0x1BFF;
	s21 =	sshll.u32 s5, $0x1;
	s2 =	sadd.s32 s19, s18  }
0x9c: {  	s6 =	simm.s32 $0x0;
	s20 =	sshll.u32 s4, $0x1;
	s4 =	sadd.s32 s21, s2  }
0x9d: {  	[timem:s6], [sflag:s22] =	dma.local [hbm:s4], s20  }
0x9e: {  	_ =	swait.ge [sflag:s22], s20  }
0x9f: {  	s3 =	ssub.s32 $0x0, s20;
	[sflag:s22] =	ssyncset.done $0x0  }
0xa0: {  	[sflag:s22] =	ssyncadd.s32 s3;
	_ =	sdelay $0x1  }
0xa1: {  	s23 =	simm.s32 $0x1B8B  }
0xa2: {  	_ =	swait.ge [sflag:s23], $0x1  }
0xa3: {  	[sflag:s23] =	ssyncset.done $0x0  }
0xa4: {  	s25 =	simm.s32 $0x1B8E;
	s24 =	sld [smem:$0x3FFE];
	[sflag:s23] =	ssyncadd.s32 $0xFFFFFFFF  }
0xa5: {  	s26 =	simm.s32 $execute0_lowered;
	[smem:$0x3FD2] =	sst s25  }
0xa6: {  	s4 =	sshll.u32 s26, $0x1;
	_ =	strace $0x8000004F;
	[dreg:$0x1] =	wrdreg $0xFFFFFFFF  }
0xa7: {  	s28 =	simm.s32 $_size_execute0_lowered;
	s2 =	sadd.s32 s2, s4;
	[dreg:$0x0] =	wrdreg $0x0  }
0xa8: {  	s4 =	sshll.u32 s28, $0x1;
	[dreg:$0x2] =	wrdreg s2  }
0xa9: {  	[dreg:$0x3] =	wrdreg s4  }
0xaa: {  	[dreg:$0x4] =	wrdreg $0xC0  }
0xab: {  	_ =	task [dreg:s6], $0x5FFFF  }
0xac: {  	[dreg:$0x1] =	wrdreg $0xFFFFFFFF  }
0xad: {  	[dreg:$0x0] =	wrdreg $0x60  }
0xae: {  	[dreg:$0x2] =	wrdreg s24  }
0xaf: {  	[dreg:$0x3] =	wrdreg $0x82000  }
0xb0: {  	[dreg:$0x4] =	wrdreg $0x9  }
0xb1: {  	_ =	task.clear_ibuf [dreg:s6], $0x5FFFF;
	_ =	strace $0x9000004F  }
0xb2: {  	s29 =	simm.s32 $0x9;
	_ =	strace $0x80000051  }
0xb3: {  	_ =	swait.ge [sflag:s29], $0x1  }
0xb4: {  	[sflag:s29] =	ssyncadd.s32 $0xFFFFFFFF  }
0xb5: {  	_ =	strace $0x90000051  }
0xb6: {  	_ =	sfence  }
0xb7: {  	s30 =	sld [smem:$0x0];
	_ =	sdelay $0x2  }
0xb8: {  	s31 =	sshll.u32 s1, $0xD;
	s1 =	sshrl.u32 s1, $0x2  }
0xb9: {  	s3 =	sand.u32 $0x4000, s31;
	s1 =	sadd.s32 s1, s30  }
0xba: {  	s0 =	sor.u32 s3, s0;
	s1 =	sshll.u32 s1, $0x11  }
0xbb: {  	s0 =	sor.u32 s1, s0  }
0xbc: {  	s0 =	sadd.s32 $0x8F2B, s0  }
0xbd: {  	[sflag:s0] =	ssyncadd.remote.s32 $0x1  }
0xbe: {  	_ =	sfence.sel $0xFFFF  }
0xbf: {  	[dreg:$0x0] =	wrdreg $0xFFFFFFFF;
	(pc) =	sbr.abs _section_cstart, $3  }
0xc0: {  	[dreg:$0x1] =	wrdreg $0xFFFFFFFF  }
0xc1: {  	_ =	task.clear_ibuf [dreg:s6], $0x2FFFF;
	_ =	strace $0x9FFFFFFF  }
0xc2: {  	(tm) =	ssettm $0x7FFFFFFF  }
0xc3: {  	_ =	shalt  }
tec
execute0_lowered:
.L_overlay_start_1:
0x0: {  	(tag) =	ssettag $0x1  }
0x1: {  	s5 =	rddreg [dreg:$0x0]  }
0x2: {  	s2 =	rddreg [dreg:$0x1]  }
0x3: {  	s0 =	rddreg [dreg:$0x2];
	s1 =	stileid.u32  }
0x4: {  	s4 =	srdreg.scid;
	s3 =	simm.s32 $0x0;
	s15 =	simm.s32 $0x200  }
0x5: {  	s16 =	simm.s32 $0x100;
	s17 =	simm.s32 $0x3;
	s6 =	smul.u32 $0x14000, s1  }
0x6: {  	s18 =	simm.s32 $0x2;
	s19 =	simm.s32 $0x0;
	s9 =	smul.u32 $0x50000, s1  }
0x7: {  	s7 =	sand.u32 $0x1, s4;
	[smem:$0x7FF] =	sst s3;
	s12 =	smul.u32 $0x9F00, s1  }
0x8: {  	s4 =	sadd.s32 $0x7C400, s5;
	s11 =	sadd.s32 $0x4800, s5;
	s8 =	smul.u32 $0x140000, s7  }
0x9: {  	s30 =	sshll.u32 s1, $0x6;
	s10 =	smul.u32 $0x9F000, s7;
	s23 =	ssub.s32 $0x2, s7  }
0xa: {  	_ =	strace $0x80000050;
	s7 =	sshrl.u32 s23, $0x1;
	s24 =	sshrl.u32 s9, $0x2  }
0xb: {  	s8 =	sadd.s32 s6, s8;
	s6 =	sshrl.u32 s6, $0x3;
	s25 =	sadd.s32 s12, s10  }
0xc: {  	s26 =	ssub.s32 s23, s7;
	s28 =	sadd.s32 s24, s2;
	s7 =	sor.u32 $0x1C04, s30  }
0xd: {  	s8 =	sshrl.u32 s8, $0x3;
	s6 =	sadd.s32 s6, s5;
	s29 =	sshrl.u32 s25, $0x3  }
0xe: {  	s14 =	sadd.s32 $0x200, s25;
	s10 =	smax.u32 s26, $0x1;
	s12 =	sshrl.u32 s28, $0x3  }
0xf: {  	s13 =	sadd.s32 s8, s5;
	s5 =	sadd.s32 $0xCC400, s6;
	s6 =	sadd.s32 s11, s29  }
0x10: {  	s31 =	sshrl.u32 s14, $0x3;
	s14 =	simm.s32 $0x80;
	s8 =	sadd.s32 $0x20, s6  }
0x11: {  	s9 =	sadd.s32 $0xF4400, s13;
	s11 =	sadd.s32 s31, s11;
	s13 =	simm.s32 $0x4  }
.LBB2_1:
0x12: {  	[spmem:s12], [sflag:s7] =	dma.local [hbm:s5], $0x2800  }
0x13: {  	_ =	swait.ge [sflag:s13], $0x2800  }
0x14: {  	[sflag:s13] =	ssyncset.done $0x0  }
0x15: {  	[sflag:s13] =	ssyncadd.s32 $0xFFFFD800  }
0x16: {  	[bflag:$0x0] =	sbarrier.arrive $0xFFFF  }
0x17: {  	[tilespmem:s3], [sflag:$0x4] =	stream.linear.gather [hbm4b:s6+s3], $0x100, $0x38;
	[tilespmem:$0x1C200] =	vst v63  }
0x18: {  	_ =	swait.ge [sflag:s13], $0x100  }
0x19: {  	[sflag:s13] =	ssyncset.done $0x0  }
0x1a: {  	[sflag:s13] =	ssyncadd.s32 $0xFFFFFF00  }
0x1b: {  	[tilespmem:s15], [sflag:$0x1] =	stream.indirect.gather [hbm4b:s4+s14], $0x80, s3, s14, $0xb8;
	[tilespmem:$0x1C200] =	vst v63  }
0x1c: {  	_ = 	snop  }
0x1d: {  	[tilespmem:s16], [sflag:$0x3] =	stream.linear.gather [hbm4b:s8+s3], $0x100, $0x38;
	[tilespmem:$0x1C200] =	vst v63  }
0x1e: {  	s20 =	sand.u32 $0x1, s3;
	_ =	swait.ge [sflag:s17], $0x100  }
0x1f: {  	p0 =	seq.s32 s20, $0x1;
	[sflag:s17] =	ssyncset.done $0x0  }
0x20: {  	s20 =	simm.s32 @p0 $0x2;
	[sflag:s17] =	ssyncadd.s32 $0xFFFFFF00  }
0x21: {  	_ =	swait.ge @p0 [sflag:s20], $0x4000  }
0x22: {  	s21 =	simm.s32 @p0 $0x200;
	[sflag:s20] =	ssyncset.done @p0 $0x0  }
0x23: {  	s22 =	simm.s32 @p0 $0x0;
	[sflag:s20] =	ssyncadd.s32 @p0 $0xFFFFC000;
	s20 =	simm.s32 @p0 $0x80  }
0x24: {  	[tilespmem:s21], [sflag:$0x1] =	stream.indirect.gather @p0 [hbm4b:s4+s20], $0x80, s22, s20, $0xb8;
	[tilespmem:$0x1C200] =	vst v63  }
0x25: {  	s23 =	simm.s32 @!p0 $0x1;
	s21 =	simm.s32 @p0 $0x180;
	s22 =	simm.s32 @p0 $0x4200  }
0x26: {  	[spmem:s2] =	stream.indirect.scatter.add.f32 @p0 [tilespmem:s22], [sflag:$0x4], $0x80, s21, s20, $0xb8;
	[tilespmem:$0x1C200] =	vst v63  }
0x27: {  	_ =	swait.ge @!p0 [sflag:s23], $0x4000  }
0x28: {  	s20 =	simm.s32 @!p0 $0x4200;
	[sflag:s23] =	ssyncset.done @!p0 $0x0  }
0x29: {  	s21 =	simm.s32 @!p0 $0x80;
	s22 =	simm.s32 @!p0 $0x100;
	[sflag:s23] =	ssyncadd.s32 @!p0 $0xFFFFC000  }
0x2a: {  	[tilespmem:s20], [sflag:$0x2] =	stream.indirect.gather @!p0 [hbm4b:s4+s21], $0x80, s22, s21, $0xb8;
	[tilespmem:$0x1C200] =	vst v63  }
0x2b: {  	s20 =	simm.s32 @!p0 $0x200  }
0x2c: {  	[spmem:s2] =	stream.indirect.scatter.add.f32 @!p0 [tilespmem:s20], [sflag:$0x4], $0x80, s21, s21, $0xb8;
	[tilespmem:$0x1C200] =	vst v63  }
0x2d: {  	s22 =	simm.s32 @!p0 $0x0;
	_ =	swait.ge [sflag:s13], $0x4000  }
0x2e: {  	s23 =	smov.u32 s11;
	s22 =	simm.s32 @p0 $0x100;
	[sflag:s13] =	ssyncset.done $0x0  }
0x2f: {  	s20 =	simm.s32 $0x1;
	s21 =	sadd.s32 $0x20, s11;
	[sflag:s13] =	ssyncadd.s32 $0xFFFFC000  }
.LBB2_2:
0x30: {  	[tilespmem:s22], [sflag:$0x3] =	stream.linear.gather [hbm4b:s23+s3], $0x100, $0x38;
	[tilespmem:$0x1C200] =	vst v63  }
0x31: {  	s22 =	sand.u32 $0x1, s20;
	s20 =	sadd.s32 $0x1, s20;
	_ =	swait.ge [sflag:s17], $0x100  }
0x32: {  	p1 =	seq.s32 s22, $0x1;
	p0 =	sne.s32 s20, $0x9D;
	[sflag:s17] =	ssyncset.done $0x0  }
0x33: {  	s24 =	simm.s32 @p1 $0x2;
	s22 =	simm.s32 @!p1 $0x0;
	[sflag:s17] =	ssyncadd.s32 $0xFFFFFF00  }
0x34: {  	s23 =	smov.u32 s21;
	s22 =	simm.s32 @p1 $0x100;
	_ =	swait.ge @p1 [sflag:s24], $0x4000  }
0x35: {  	s25 =	simm.s32 @p1 $0x200;
	[sflag:s24] =	ssyncset.done @p1 $0x0  }
0x36: {  	s26 =	simm.s32 @p1 $0x0;
	[sflag:s24] =	ssyncadd.s32 @p1 $0xFFFFC000;
	s24 =	simm.s32 @p1 $0x80  }
0x37: {  	[tilespmem:s25], [sflag:$0x1] =	stream.indirect.gather @p1 [hbm4b:s4+s24], $0x80, s26, s24, $0xb8;
	[tilespmem:$0x1C200] =	vst v63  }
0x38: {  	s28 =	simm.s32 @!p1 $0x1;
	s25 =	simm.s32 @p1 $0x180;
	s26 =	simm.s32 @p1 $0x4200  }
0x39: {  	[spmem:s2] =	stream.indirect.scatter.add.f32 @p1 [tilespmem:s26], [sflag:$0x4], $0x80, s25, s24, $0xb8;
	[tilespmem:$0x1C200] =	vst v63  }
0x3a: {  	_ =	swait.ge @!p1 [sflag:s28], $0x4000  }
0x3b: {  	s24 =	simm.s32 @!p1 $0x4200;
	[sflag:s28] =	ssyncset.done @!p1 $0x0  }
0x3c: {  	s25 =	simm.s32 @!p1 $0x80;
	s26 =	simm.s32 @!p1 $0x100;
	[sflag:s28] =	ssyncadd.s32 @!p1 $0xFFFFC000  }
0x3d: {  	[tilespmem:s24], [sflag:$0x2] =	stream.indirect.gather @!p1 [hbm4b:s4+s25], $0x80, s26, s25, $0xb8;
	[tilespmem:$0x1C200] =	vst v63  }
.Ltmp0:
0x3e: {  	s24 =	simm.s32 @!p1 $0x200;
	(pc) =	sbr.rel @p0 .LBB2_2-.Ltmp0, $4  }
0x3f: {  	[spmem:s2] =	stream.indirect.scatter.add.f32 @!p1 [tilespmem:s24], [sflag:$0x4], $0x80, s25, s25, $0xb8;
	[tilespmem:$0x1C200] =	vst v63  }
0x40: {  	_ =	swait.ge [sflag:s13], $0x4000  }
0x41: {  	[sflag:s13] =	ssyncset.done $0x0  }
0x42: {  	s21 =	sadd.s32 $0x20, s21;
	[sflag:s13] =	ssyncadd.s32 $0xFFFFC000  }
0x43: {  	[tilespmem:s22], [sflag:$0x3] =	stream.linear.gather [hbm4b:s23+s3], $0x100, $0x38;
	[tilespmem:$0x1C200] =	vst v63  }
0x44: {  	_ =	swait.ge [sflag:s18], $0x4000  }
0x45: {  	[sflag:s18] =	ssyncset.done $0x0  }
0x46: {  	[sflag:s18] =	ssyncadd.s32 $0xFFFFC000  }
0x47: {  	_ =	swait.ge [sflag:s17], $0x100  }
0x48: {  	s19 =	sadd.s32 $0x1, s19;
	[sflag:s17] =	ssyncset.done $0x0  }
0x49: {  	p0 =	sne.s32 s19, s10;
	[sflag:s17] =	ssyncadd.s32 $0xFFFFFF00  }
.Ltmp1:
0x4a: {  	[bflag:$0x0] =	sbarrier.arrive $0xFFFF;
	(pc) =	sbr.rel @p0 .LBB2_1-.Ltmp1, $4  }
0x4b: {  	[hbm:s9], [sflag:s7] =	dma.local [spmem:s12], $0x2800  }
0x4c: {  	_ =	swait.ge [sflag:s13], $0x2800  }
0x4d: {  	[sflag:s13] =	ssyncset.done $0x0  }
0x4e: {  	[sflag:s13] =	ssyncadd.s32 $0xFFFFD800  }
0x4f: {  	_ =	sfence.sel $0x180000  }
0x50: {  	[bflag:$0x0] =	sbarrier.arrive $0xFFFF  }
0x51: {  	p0 =	sne.s32 s1, $0x0;
	_ =	strace $0x90000050  }
0x52: {  	s0 =	sadd.s32 @!p0 $0x100000, s0;
	[bflag:$0x2] =	sbarrier.arrive $0xFFFF  }
0x53: {  	[sflag:s0] =	ssyncadd.tile.s32 @!p0 $0x1;
	_ =	shalt  }
.Lfunc_end2:
_tile_overlayer_lowered:
.L_overlay_start_2:
0x54: {  	(tag) =	ssettag $0x2  }
0x55: {  	s0 =	rddreg [dreg:$0x0];
	s2 =	stileid.u32  }
0x56: {  	s1 =	rddreg [dreg:$0x1];
	p0 =	sne.s32 s2, $0x0  }
0x57: {  	s3 =	rddreg [dreg:$0x2];
	[bflag:$0x3] =	sbarrier.arrive $0xFFFF;
	s2 =	simm.s32 @!p0 $0x1C04  }
0x58: {  	[timem:s3], [sflag:s2] =	dma.local @!p0 [hbm:s0], s1  }
0x59: {  	s0 =	simm.s32 @!p0 $0x4  }
0x5a: {  	_ =	swait.ge @!p0 [sflag:s0], s1  }
0x5b: {  	s1 =	ssub.s32 @!p0 $0x0, s1;
	[sflag:s0] =	ssyncset.done @!p0 $0x0  }
0x5c: {  	[sflag:s0] =	ssyncadd.s32 @!p0 s1  }
0x5d: {  	[bflag:$0x3] =	sbarrier.arrive $0xFFFF  }
0x5e: {  	_ =	shalt  }

</sc_bundles>
